<compile_context>
chip_gen: v7x
topology: tpu7x:2x2x1
jax: 0.10.2.dev20260603
libtpu: 0.0.44.dev20260713+nightly
codegen_flags: <defaults>
</compile_context>

<pallas_src>
import functools

import jax
import jax.numpy as jnp
from jax import lax
from jax.experimental import pallas as pl
from jax.experimental.pallas import tpu as pltpu
from jax.experimental.pallas import tpu_sc as plsc

B = 16
N = 5000
NP = 5120
NRI = 625
NRO = 640
NCHUNK = 320
K = 100
KPAD = 104
NEG = -3.0e38


def _tc_body(logits_ref, obj_ref, keys_ref, cmax_ref, labels_ref):
    x = logits_ref[0].reshape(NRI, 8, 91)
    xk = x[..., :90]
    m = jnp.max(xk, axis=-1)
    cls_iota = lax.broadcasted_iota(jnp.int32, (NRI, 8, 90), 2)
    lbl = jnp.min(jnp.where(xk == m[..., None], cls_iota, 1000000), axis=-1)
    o = jnp.exp(-obj_ref[0][:NRI])
    p = jax.nn.sigmoid(m)
    sk = o * p
    su = o * (1.0 - p)
    choose = su > sk
    fs = jnp.where(choose, su, sk)
    flb = jnp.where(choose, 90, lbl)
    keep = fs > 0.05
    gidx = (lax.broadcasted_iota(jnp.int32, (NRI, 8), 0) * 8
            + lax.broadcasted_iota(jnp.int32, (NRI, 8), 1))
    enc = -(1e30 + gidx.astype(jnp.float32) * 1e24)
    key = jnp.where(keep, fs, enc)
    pad_flat = (N
                + lax.broadcasted_iota(jnp.int32, (NRO - NRI, 8), 0) * 8
                + lax.broadcasted_iota(jnp.int32, (NRO - NRI, 8), 1))
    pad_enc = -(1e30 + pad_flat.astype(jnp.float32) * 1e24)
    key_full = jnp.concatenate([key, pad_enc], axis=0)
    keys_ref[0] = key_full
    cmax_ref[0] = jnp.max(key_full, axis=1, keepdims=True)
    labels_ref[0, :NRI] = flb


_sc_mesh = plsc.VectorSubcoreMesh(core_axis_name="c", subcore_axis_name="s")


@functools.partial(
    pl.kernel,
    mesh=_sc_mesh,
    out_type=[
        jax.ShapeDtypeStruct((B * KPAD,), jnp.float32),
        jax.ShapeDtypeStruct((B * KPAD,), jnp.int32),
        jax.ShapeDtypeStruct((B * KPAD * 4,), jnp.float32),
    ],
    scratch_types=[
        pltpu.VMEM((NP + 8,), jnp.float32),
        pltpu.VMEM((NRO,), jnp.float32),
        pltpu.VMEM((NP + 8,), jnp.int32),
        pltpu.VMEM((N * 4,), jnp.float32),
        pltpu.VMEM((32,), jnp.float32),
        pltpu.VMEM((48,), jnp.float32),
        pltpu.SemaphoreType.DMA,
        pltpu.VMEM((KPAD,), jnp.float32),
        pltpu.VMEM((KPAD,), jnp.int32),
        pltpu.VMEM((KPAD * 4,), jnp.float32),
    ],
    compiler_params=pltpu.CompilerParams(needs_layout_passes=False),
)
def _sc_topk(keys_hbm, cm_hbm, labels_hbm, boxes_hbm, ts_hbm,
             so_hbm, lo_hbm, bo_hbm,
             keys_v, cm_v, labels_v, boxes_v, ts_v, gm_v, sem, os_v, ol_v,
             ob_v):
    wid = lax.axis_index("s") * 2 + lax.axis_index("c")

    @pl.when(wid < B)
    def _():
        b = wid
        c1 = pltpu.async_copy(keys_hbm.at[pl.ds(b * NP, NP)],
                              keys_v.at[pl.ds(0, NP)], sem)
        c2 = pltpu.async_copy(cm_hbm.at[pl.ds(b * NRO, NRO)], cm_v, sem)
        c3 = pltpu.async_copy(labels_hbm.at[pl.ds(b * NP, NP)],
                              labels_v.at[pl.ds(0, NP)], sem)
        c4 = pltpu.async_copy(boxes_hbm.at[pl.ds(b * N * 4, N * 4)],
                              boxes_v, sem)
        c5 = pltpu.async_copy(ts_hbm, ts_v, sem)
        c1.wait()
        c2.wait()
        c3.wait()
        c4.wait()
        c5.wait()
        lanes = lax.iota(jnp.int32, 16)
        lane0 = lanes == 0
        hvec = plsc.load_gather(ts_v, [jnp.full((16,), 2 * b, jnp.int32)])
        wvec = plsc.load_gather(ts_v, [jnp.full((16,), 2 * b + 1, jnp.int32)])
        scale_vec = jnp.where((lanes & 1) == 0, wvec, hvec)
        sign_vec = jnp.where(lanes < 2, jnp.float32(-0.5), jnp.float32(0.5))
        gm_v[pl.ds(32, 16)] = jnp.full((16,), NEG, jnp.float32)

        def build_g(g, carry):
            v = cm_v[pl.ds(g * 16, 16)]
            plsc.store_scatter(gm_v, [jnp.full((16,), g, jnp.int32)],
                               jnp.full((16,), jnp.max(v), jnp.float32),
                               mask=lane0)
            return carry

        lax.fori_loop(0, NRO // 16, build_g, jnp.int32(0))
        os_v[pl.ds(KPAD - 16, 16)] = jnp.zeros((16,), jnp.float32)
        ol_v[pl.ds(KPAD - 16, 16)] = jnp.zeros((16,), jnp.int32)
        ob_v[pl.ds(KPAD * 4 - 16, 16)] = jnp.zeros((16,), jnp.float32)

        def sel_body(k, carry):
            bestv = jnp.full((16,), NEG, jnp.float32)
            bestc = jnp.full((16,), 0, jnp.int32)
            for g in range(3):
                v = gm_v[pl.ds(g * 16, 16)]
                upd = v > bestv
                bestv = jnp.where(upd, v, bestv)
                bestc = jnp.where(upd, g * 16 + lanes, bestc)
            gm = jnp.max(bestv)
            gstar = jnp.min(jnp.where(bestv == gm, bestc, jnp.int32(100000)))
            rv = cm_v[pl.ds(gstar * 16, 16)]
            rlane = jnp.min(jnp.where(rv == gm, lanes, jnp.int32(16)))
            cstar = gstar * 16 + rlane
            row8 = lanes < 8
            kv = keys_v[pl.ds(cstar * 8, 16)]
            lstar = jnp.min(jnp.where((kv == gm) & row8, lanes, jnp.int32(16)))
            idx = cstar * 8 + lstar
            score = jnp.where(gm > -1e29, gm, jnp.float32(-jnp.inf))
            lv = labels_v[pl.ds(cstar * 8, 16)]
            lab = jnp.max(jnp.where(lanes == lstar, lv, jnp.int32(-1)))
            box_sel = lanes < 4
            bidx = jnp.where(box_sel, idx * 4 + lanes, 0)
            bv = plsc.load_gather(boxes_v, [bidx], mask=box_sel)
            cx = jnp.max(jnp.where(lanes == 0, bv, NEG))
            cy = jnp.max(jnp.where(lanes == 1, bv, NEG))
            bw = jnp.max(jnp.where(lanes == 2, bv, NEG))
            bh = jnp.max(jnp.where(lanes == 3, bv, NEG))
            center = jnp.where((lanes & 1) == 0, cx, cy)
            whh = jnp.where((lanes & 1) == 0, bw, bh)
            xy = (center + sign_vec * whh) * scale_vec
            plsc.store_scatter(os_v, [jnp.full((16,), k, jnp.int32)],
                               jnp.full((16,), score, jnp.float32), mask=lane0)
            plsc.store_scatter(ol_v, [jnp.full((16,), k, jnp.int32)],
                               jnp.full((16,), lab, jnp.int32), mask=lane0)
            plsc.store_scatter(ob_v, [k * 4 + lanes], xy, mask=box_sel)
            kv2 = jnp.where(lanes == lstar, NEG, kv)
            keys_v[pl.ds(cstar * 8, 16)] = kv2
            rowmax = jnp.max(jnp.where(row8, kv2, NEG))
            plsc.store_scatter(cm_v, [jnp.full((16,), cstar, jnp.int32)],
                               jnp.full((16,), rowmax, jnp.float32),
                               mask=lane0)
            rv2 = jnp.where(lanes == rlane, rowmax, rv)
            plsc.store_scatter(gm_v, [jnp.full((16,), gstar, jnp.int32)],
                               jnp.full((16,), jnp.max(rv2), jnp.float32),
                               mask=lane0)
            return carry

        lax.fori_loop(0, K, sel_body, jnp.int32(0))
        pltpu.sync_copy(os_v, so_hbm.at[pl.ds(b * KPAD, KPAD)])
        pltpu.sync_copy(ol_v, lo_hbm.at[pl.ds(b * KPAD, KPAD)])
        pltpu.sync_copy(ob_v, bo_hbm.at[pl.ds(b * KPAD * 4, KPAD * 4)])


def kernel(pred_logits, pred_obj, pred_boxes, target_sizes):
    obj_r = jnp.pad(pred_obj, ((0, 0), (0, NP - N))).reshape(B, NRO, 8)

    keys, cmax, labels = pl.pallas_call(
        _tc_body,
        grid=(B,),
        in_specs=[
            pl.BlockSpec((1, N, 91), lambda b: (b, 0, 0)),
            pl.BlockSpec((1, NRO, 8), lambda b: (b, 0, 0)),
        ],
        out_specs=[
            pl.BlockSpec((1, NRO, 8), lambda b: (b, 0, 0)),
            pl.BlockSpec((1, NRO, 1), lambda b: (b, 0, 0)),
            pl.BlockSpec((1, NRO, 8), lambda b: (b, 0, 0)),
        ],
        out_shape=[
            jax.ShapeDtypeStruct((B, NRO, 8), jnp.float32),
            jax.ShapeDtypeStruct((B, NRO, 1), jnp.float32),
            jax.ShapeDtypeStruct((B, NRO, 8), jnp.int32),
        ],
        compiler_params=pltpu.CompilerParams(
            dimension_semantics=("parallel",)),
    )(pred_logits, obj_r)

    keys_f = keys.reshape(B * NP)
    cm_f = cmax.reshape(B * NRO)
    labels_f = labels.reshape(B * NP)
    boxes_f = pred_boxes.reshape(B * N * 4)
    ts_f = target_sizes.astype(jnp.float32).reshape(B * 2)

    so, lo, bo = _sc_topk(keys_f, cm_f, labels_f, boxes_f, ts_f)
    so = so.reshape(B, KPAD)[:, :K]
    lo = lo.reshape(B, KPAD)[:, :K]
    bo = bo.reshape(B, KPAD, 4)[:, :K]
    res = []
    for b in range(B):
        res.extend([so[b], lo[b], bo[b]])
    return tuple(res)

# --- scband reference (transcript-rebuilt; emitter-appended) ---
"""Pipeline reference for scband-post-process-88570815578653 (READ-ONLY COPY).

The authoritative reference and input builder live on the scoring server;
editing this copy changes nothing except your own understanding.
"""

import jax, jax.numpy as jnp
import numpy as np

INVALID_CLS_LOGITS = [90]
NUM_CLASSES = 91
TEMPERATURE = 1.0
PRED_PER_IM = 100
KNOWN_THRESH = 0.05
UNKNOWN_THRESH = 0.05
ENABLE_UNKNOWN_OUTPUT = True


def box_cxcywh_to_xyxy(x):
    cx, cy, w, h = x[..., 0], x[..., 1], x[..., 2], x[..., 3]
    return jnp.stack([cx - 0.5 * w, cy - 0.5 * h, cx + 0.5 * w, cy + 0.5 * h], axis=-1)


def setup_inputs(seed: int = 0) -> dict:
    key = jax.random.key(seed)
    k1, k2, k3, k4 = jax.random.split(key, 4)
    pred_logits = jax.random.normal(k1, (16, 5000, 91), dtype=jnp.float32)
    pred_obj = jax.random.normal(k2, (16, 5000), dtype=jnp.float32)
    pred_boxes = jax.random.uniform(k3, (16, 5000, 4), dtype=jnp.float32)
    target_sizes = jax.random.randint(k4, (16, 2), 0, 1333)
    return {
        "pred_logits": pred_logits,
        "pred_obj": pred_obj,
        "pred_boxes": pred_boxes,
        "target_sizes": target_sizes,
    }


def reference(pred_logits, pred_obj, pred_boxes, target_sizes):
    # out_logits = pred_logits.clone(); out_logits[:, :, invalid] = -1e11
    out_logits = pred_logits.at[:, :, jnp.array(INVALID_CLS_LOGITS)].set(-100000000000.0)
    obj_prob = jnp.exp(-TEMPERATURE * pred_obj)
    cls_prob_all = jax.nn.sigmoid(out_logits)
    known_prob = cls_prob_all[:, :, :NUM_CLASSES - 1]
    max_known_scores = known_prob.max(axis=-1)
    known_labels = jnp.argmax(known_prob, axis=-1)
    boxes = box_cxcywh_to_xyxy(pred_boxes)
    unknown_label = NUM_CLASSES - 1
    B = pred_logits.shape[0]
    results = []
    for b in range(B):
        score_known = obj_prob[b] * max_known_scores[b]
        if ENABLE_UNKNOWN_OUTPUT:
            score_unknown = obj_prob[b] * (1.0 - max_known_scores[b])
            choose_unknown = score_unknown > score_known
            final_scores = jnp.where(choose_unknown, score_unknown, score_known)
            final_labels = jnp.where(
                choose_unknown,
                jnp.full_like(known_labels[b], unknown_label),
                known_labels[b],
            )
            keep = jnp.where(
                choose_unknown,
                score_unknown > UNKNOWN_THRESH,
                score_known > KNOWN_THRESH,
            )
        else:
            final_scores = score_known
            final_labels = known_labels[b]
            keep = score_known > KNOWN_THRESH
        masked_scores = jnp.where(keep, final_scores, -jnp.inf)
        topk_scores, topk_idx = jax.lax.top_k(masked_scores, PRED_PER_IM)
        final_scores = topk_scores
        final_labels = final_labels[topk_idx]
        final_boxes = boxes[b][topk_idx]
        img_h = target_sizes[b, 0]
        img_w = target_sizes[b, 1]
        scale_fct = jnp.stack([img_w, img_h, img_w, img_h]).astype(jnp.float32)
        final_boxes = final_boxes * scale_fct
        results.extend([final_scores, final_labels, final_boxes])
    return tuple(results)

if __name__ == "__main__":
    import jax
    _d = setup_inputs()
    print(jax.jit(kernel)(*tuple(_d.values())))

</pallas_src>

<mosaic_0001>
#map = affine_map<(d0, d1) -> (0)>
module attributes {stable_mosaic.version = 14 : i64} {
  func.func @_sc_topk(%arg0: i32, %arg1: i32, %arg2: memref<81920xf32, #tpu.memory_space<hbm>>, %arg3: memref<10240xf32, #tpu.memory_space<hbm>>, %arg4: memref<81920xi32, #tpu.memory_space<hbm>>, %arg5: memref<320000xf32, #tpu.memory_space<hbm>>, %arg6: memref<32xf32, #tpu.memory_space<hbm>>, %arg7: memref<1664xf32, #tpu.memory_space<hbm>>, %arg8: memref<1664xi32, #tpu.memory_space<hbm>>, %arg9: memref<6656xf32, #tpu.memory_space<hbm>>, %arg10: memref<5128xf32, #tpu.memory_space<vmem>>, %arg11: memref<640xf32, #tpu.memory_space<vmem>>, %arg12: memref<5128xi32, #tpu.memory_space<vmem>>, %arg13: memref<20000xf32, #tpu.memory_space<vmem>>, %arg14: memref<32xf32, #tpu.memory_space<vmem>>, %arg15: memref<48xf32, #tpu.memory_space<vmem>>, %arg16: memref<!tpu.dma_semaphore, #tpu.memory_space<semaphore_mem>>, %arg17: memref<104xf32, #tpu.memory_space<vmem>>, %arg18: memref<104xi32, #tpu.memory_space<vmem>>, %arg19: memref<416xf32, #tpu.memory_space<vmem>>) attributes {dimension_semantics = [#tpu.dimension_semantics<core_parallel>, #tpu.dimension_semantics<subcore_parallel>], iteration_bounds = array<i64: 2, 16>, scalar_prefetch = 0 : i64, scratch_operands = 10 : i64, tpu.core_type = #tpu.core_type<sc_vector_subcore>, window_params = [{transform_indices = #map}, {transform_indices = #map}, {transform_indices = #map}, {transform_indices = #map}, {transform_indices = #map}, {transform_indices = #map}, {transform_indices = #map}, {transform_indices = #map}]} {
    %mul3A = arith.constant 2 : i32
    %mul3A_0 = arith.muli %arg1, %mul3A : i32
    %add3A = arith.addi %mul3A_0, %arg0 : i32
    %lt3A = arith.constant 16 : i32
    %lt3A_1 = arith.cmpi slt, %add3A, %lt3A : i32
    %convert_element_type3A = arith.extui %lt3A_1 : i1 to i32
    %cond3A = arith.constant 0 : i32
    %cond3A_2 = arith.cmpi ne, %convert_element_type3A, %cond3A : i32
    scf.if %cond3A_2 {
      %mul3A_3 = arith.constant 5120 : i32
      %mul3A_4 = arith.muli %add3A, %mul3A_3 : i32
      %dma_start3A = arith.constant 0 : i32
      %dma_start3A_5 = tpu.memref_slice %arg10[%dma_start3A] : memref<5128xf32, #tpu.memory_space<vmem>> -> memref<5120xf32, #tpu.memory_space<vmem>>
      %dma_start3A_6 = tpu.memref_slice %arg2[%mul3A_4] : memref<81920xf32, #tpu.memory_space<hbm>> -> memref<5120xf32, #tpu.memory_space<hbm>>
      %dma_start3A_7 = arith.constant 0 : i32
      %dma_start3A_8 = tpu.memref_slice %arg10[%dma_start3A_7] : memref<5128xf32, #tpu.memory_space<vmem>> -> memref<5120xf32, #tpu.memory_space<vmem>>
      %dma_start3A_9 = tpu.memref_slice %arg2[%mul3A_4] : memref<81920xf32, #tpu.memory_space<hbm>> -> memref<5120xf32, #tpu.memory_space<hbm>>
      tpu.enqueue_dma source(%dma_start3A_9 : memref<5120xf32, #tpu.memory_space<hbm>>) target(%dma_start3A_8 : memref<5120xf32, #tpu.memory_space<vmem>>) target_semaphore(%arg16 : memref<!tpu.dma_semaphore, #tpu.memory_space<semaphore_mem>>)
      %mul3A_10 = arith.constant 640 : i32
      %mul3A_11 = arith.muli %add3A, %mul3A_10 : i32
      %dma_start3A_12 = tpu.memref_slice %arg3[%mul3A_11] : memref<10240xf32, #tpu.memory_space<hbm>> -> memref<640xf32, #tpu.memory_space<hbm>>
      %dma_start3A_13 = tpu.memref_slice %arg3[%mul3A_11] : memref<10240xf32, #tpu.memory_space<hbm>> -> memref<640xf32, #tpu.memory_space<hbm>>
      tpu.enqueue_dma source(%dma_start3A_13 : memref<640xf32, #tpu.memory_space<hbm>>) target(%arg11 : memref<640xf32, #tpu.memory_space<vmem>>) target_semaphore(%arg16 : memref<!tpu.dma_semaphore, #tpu.memory_space<semaphore_mem>>)
      %mul3A_14 = arith.constant 5120 : i32
      %mul3A_15 = arith.muli %add3A, %mul3A_14 : i32
      %dma_start3A_16 = arith.constant 0 : i32
      %dma_start3A_17 = tpu.memref_slice %arg12[%dma_start3A_16] : memref<5128xi32, #tpu.memory_space<vmem>> -> memref<5120xi32, #tpu.memory_space<vmem>>
      %dma_start3A_18 = tpu.memref_slice %arg4[%mul3A_15] : memref<81920xi32, #tpu.memory_space<hbm>> -> memref<5120xi32, #tpu.memory_space<hbm>>
      %dma_start3A_19 = arith.constant 0 : i32
      %dma_start3A_20 = tpu.memref_slice %arg12[%dma_start3A_19] : memref<5128xi32, #tpu.memory_space<vmem>> -> memref<5120xi32, #tpu.memory_space<vmem>>
      %dma_start3A_21 = tpu.memref_slice %arg4[%mul3A_15] : memref<81920xi32, #tpu.memory_space<hbm>> -> memref<5120xi32, #tpu.memory_space<hbm>>
      tpu.enqueue_dma source(%dma_start3A_21 : memref<5120xi32, #tpu.memory_space<hbm>>) target(%dma_start3A_20 : memref<5120xi32, #tpu.memory_space<vmem>>) target_semaphore(%arg16 : memref<!tpu.dma_semaphore, #tpu.memory_space<semaphore_mem>>)
      %mul3A_22 = arith.constant 5000 : i32
      %mul3A_23 = arith.muli %add3A, %mul3A_22 : i32
      %mul3A_24 = arith.constant 4 : i32
      %mul3A_25 = arith.muli %mul3A_23, %mul3A_24 : i32
      %dma_start3A_26 = tpu.memref_slice %arg5[%mul3A_25] : memref<320000xf32, #tpu.memory_space<hbm>> -> memref<20000xf32, #tpu.memory_space<hbm>>
      %dma_start3A_27 = tpu.memref_slice %arg5[%mul3A_25] : memref<320000xf32, #tpu.memory_space<hbm>> -> memref<20000xf32, #tpu.memory_space<hbm>>
      tpu.enqueue_dma source(%dma_start3A_27 : memref<20000xf32, #tpu.memory_space<hbm>>) target(%arg13 : memref<20000xf32, #tpu.memory_space<vmem>>) target_semaphore(%arg16 : memref<!tpu.dma_semaphore, #tpu.memory_space<semaphore_mem>>)
      tpu.enqueue_dma source(%arg6 : memref<32xf32, #tpu.memory_space<hbm>>) target(%arg14 : memref<32xf32, #tpu.memory_space<vmem>>) target_semaphore(%arg16 : memref<!tpu.dma_semaphore, #tpu.memory_space<semaphore_mem>>)
      %dma_wait3A = arith.constant 0 : i32
      %dma_wait3A_28 = tpu.memref_slice %arg10[%dma_wait3A] : memref<5128xf32, #tpu.memory_space<vmem>> -> memref<5120xf32, #tpu.memory_space<vmem>>
      %dma_wait3A_29 = tpu.memref_slice %arg2[%mul3A_4] : memref<81920xf32, #tpu.memory_space<hbm>> -> memref<5120xf32, #tpu.memory_space<hbm>>
      %dma_wait3A_30 = arith.constant 0 : i32
      %dma_wait3A_31 = tpu.memref_slice %arg10[%dma_wait3A_30] : memref<5128xf32, #tpu.memory_space<vmem>> -> memref<5120xf32, #tpu.memory_space<vmem>>
      %dma_wait3A_32 = tpu.memref_slice %arg2[%mul3A_4] : memref<81920xf32, #tpu.memory_space<hbm>> -> memref<5120xf32, #tpu.memory_space<hbm>>
      tpu.wait_dma2 semaphore(%arg16 : memref<!tpu.dma_semaphore, #tpu.memory_space<semaphore_mem>>) src(%dma_wait3A_32 : memref<5120xf32, #tpu.memory_space<hbm>>) dst(%dma_wait3A_31 : memref<5120xf32, #tpu.memory_space<vmem>>)
      %dma_wait3A_33 = tpu.memref_slice %arg3[%mul3A_11] : memref<10240xf32, #tpu.memory_space<hbm>> -> memref<640xf32, #tpu.memory_space<hbm>>
      %dma_wait3A_34 = tpu.memref_slice %arg3[%mul3A_11] : memref<10240xf32, #tpu.memory_space<hbm>> -> memref<640xf32, #tpu.memory_space<hbm>>
      tpu.wait_dma2 semaphore(%arg16 : memref<!tpu.dma_semaphore, #tpu.memory_space<semaphore_mem>>) src(%dma_wait3A_34 : memref<640xf32, #tpu.memory_space<hbm>>) dst(%arg11 : memref<640xf32, #tpu.memory_space<vmem>>)
      %dma_wait3A_35 = arith.constant 0 : i32
      %dma_wait3A_36 = tpu.memref_slice %arg12[%dma_wait3A_35] : memref<5128xi32, #tpu.memory_space<vmem>> -> memref<5120xi32, #tpu.memory_space<vmem>>
      %dma_wait3A_37 = tpu.memref_slice %arg4[%mul3A_15] : memref<81920xi32, #tpu.memory_space<hbm>> -> memref<5120xi32, #tpu.memory_space<hbm>>
      %dma_wait3A_38 = arith.constant 0 : i32
      %dma_wait3A_39 = tpu.memref_slice %arg12[%dma_wait3A_38] : memref<5128xi32, #tpu.memory_space<vmem>> -> memref<5120xi32, #tpu.memory_space<vmem>>
      %dma_wait3A_40 = tpu.memref_slice %arg4[%mul3A_15] : memref<81920xi32, #tpu.memory_space<hbm>> -> memref<5120xi32, #tpu.memory_space<hbm>>
      tpu.wait_dma2 semaphore(%arg16 : memref<!tpu.dma_semaphore, #tpu.memory_space<semaphore_mem>>) src(%dma_wait3A_40 : memref<5120xi32, #tpu.memory_space<hbm>>) dst(%dma_wait3A_39 : memref<5120xi32, #tpu.memory_space<vmem>>)
      %dma_wait3A_41 = tpu.memref_slice %arg5[%mul3A_25] : memref<320000xf32, #tpu.memory_space<hbm>> -> memref<20000xf32, #tpu.memory_space<hbm>>
      %dma_wait3A_42 = tpu.memref_slice %arg5[%mul3A_25] : memref<320000xf32, #tpu.memory_space<hbm>> -> memref<20000xf32, #tpu.memory_space<hbm>>
      tpu.wait_dma2 semaphore(%arg16 : memref<!tpu.dma_semaphore, #tpu.memory_space<semaphore_mem>>) src(%dma_wait3A_42 : memref<20000xf32, #tpu.memory_space<hbm>>) dst(%arg13 : memref<20000xf32, #tpu.memory_space<vmem>>)
      tpu.wait_dma2 semaphore(%arg16 : memref<!tpu.dma_semaphore, #tpu.memory_space<semaphore_mem>>) src(%arg6 : memref<32xf32, #tpu.memory_space<hbm>>) dst(%arg14 : memref<32xf32, #tpu.memory_space<vmem>>)
      %iota3A = tpu.iota {dimensions = array<i32: 0>} : vector<16xi32>
      %eq3A = arith.constant 0 : i32
      %eq3A_43 = vector.broadcast %eq3A : i32 to vector<16xi32>
      %eq3A_44 = arith.cmpi eq, %iota3A, %eq3A_43 : vector<16xi32>
      %mul3A_45 = arith.constant 2 : i32
      %mul3A_46 = arith.muli %mul3A_45, %add3A : i32
      %broadcast_in_dim3A = vector.broadcast %mul3A_46 : i32 to vector<16xi32>
      %gather3A = tpu.vector_load_idx %arg14[%broadcast_in_dim3A] : memref<32xf32, #tpu.memory_space<vmem>>[vector<16xi32>], vector<16xf32>,
      %mul3A_47 = arith.constant 2 : i32
      %mul3A_48 = arith.muli %mul3A_47, %add3A : i32
      %add3A_49 = arith.constant 1 : i32
      %add3A_50 = arith.addi %mul3A_48, %add3A_49 : i32
      %broadcast_in_dim3A_51 = vector.broadcast %add3A_50 : i32 to vector<16xi32>
      %gather3A_52 = tpu.vector_load_idx %arg14[%broadcast_in_dim3A_51] : memref<32xf32, #tpu.memory_space<vmem>>[vector<16xi32>], vector<16xf32>,
      %and3A = arith.constant 1 : i32
      %and3A_53 = vector.broadcast %and3A : i32 to vector<16xi32>
      %and3A_54 = arith.andi %iota3A, %and3A_53 : vector<16xi32>
      %eq3A_55 = arith.constant 0 : i32
      %eq3A_56 = vector.broadcast %eq3A_55 : i32 to vector<16xi32>
      %eq3A_57 = arith.cmpi eq, %and3A_54, %eq3A_56 : vector<16xi32>
      %select_n3A = arith.select %eq3A_57, %gather3A_52, %gather3A : vector<16xi1>, vector<16xf32>
      %lt3A_58 = arith.constant 2 : i32
      %lt3A_59 = vector.broadcast %lt3A_58 : i32 to vector<16xi32>
      %lt3A_60 = arith.cmpi slt, %iota3A, %lt3A_59 : vector<16xi32>
      %jit3A = arith.constant -5.000000e-01 : f32
      %jit3A_61 = arith.constant 5.000000e-01 : f32
      %broadcast_in_dim3A_62 = vector.broadcast %jit3A : f32 to vector<16xf32>
      %broadcast_in_dim3A_63 = vector.broadcast %jit3A_61 : f32 to vector<16xf32>
      %select_n3A_64 = arith.select %lt3A_60, %broadcast_in_dim3A_62, %broadcast_in_dim3A_63 : vector<16xi1>, vector<16xf32>
      %broadcast_in_dim3A_65 = arith.constant -3.000000e+38 : f32
      %broadcast_in_dim3A_66 = vector.broadcast %broadcast_in_dim3A_65 : f32 to vector<16xf32>
      %swap3A = arith.constant 32 : index
      %swap3A_67 = tpu.vector_load %arg15[%swap3A] {strides = array<i32>} : memref<48xf32, #tpu.memory_space<vmem>>, vector<16xf32>,
      tpu.vector_store %arg15[%swap3A], %broadcast_in_dim3A_66 {strides = array<i32>} : memref<48xf32, #tpu.memory_space<vmem>>, vector<16xf32>,
      %scan3A = arith.constant 0 : i32
      %scan3A_68 = arith.constant 0 : i32
      %scan3A_69 = arith.constant 40 : i32
      %scan3A_70 = arith.addi %scan3A_68, %scan3A_69 : i32
      %scan3A_71 = arith.constant 1 : i32
      scf.for %scan3A_99 = %scan3A_68 to %scan3A_70 step %scan3A_71  : i32 {
        %mul3A_100 = arith.constant 16 : i32
        %mul3A_101 = arith.muli %scan3A_99, %mul3A_100 : i32
        %get3A = arith.index_cast %mul3A_101 : i32 to index
        %get3A_102 = tpu.vector_load %arg11[%get3A] {strides = array<i32>} : memref<640xf32, #tpu.memory_space<vmem>>, vector<16xf32>,
        %broadcast_in_dim3A_103 = vector.broadcast %scan3A_99 : i32 to vector<16xi32>
        %reduce_max3A = arith.constant true
        %reduce_max3A_104 = vector.broadcast %reduce_max3A : i1 to vector<16xi1>
        %reduce_max3A_105 = tpu.scan <max>, %get3A_102 masked %reduce_max3A_104 : vector<16xf32>, vector<16xi1> -> vector<16xf32>
        %reduce_max3A_106 = vector.extract %reduce_max3A_105[15] : f32 from vector<16xf32>
        %broadcast_in_dim3A_107 = vector.broadcast %reduce_max3A_106 : f32 to vector<16xf32>
        tpu.vector_store_idx %arg15[%broadcast_in_dim3A_103], %broadcast_in_dim3A_107 masked %eq3A_44 : memref<48xf32, #tpu.memory_space<vmem>>[vector<16xi32>], vector<16xf32>, vector<16xi1>
      }
      %scan3A_72 = arith.constant 40 : i32
      %broadcast_in_dim3A_73 = arith.constant 0.000000e+00 : f32
      %broadcast_in_dim3A_74 = vector.broadcast %broadcast_in_dim3A_73 : f32 to vector<16xf32>
      %swap3A_75 = arith.constant 88 : index
      %swap3A_76 = tpu.vector_load %arg17[%swap3A_75] {strides = array<i32>} : memref<104xf32, #tpu.memory_space<vmem>>, vector<16xf32>,
      tpu.vector_store %arg17[%swap3A_75], %broadcast_in_dim3A_74 {strides = array<i32>} : memref<104xf32, #tpu.memory_space<vmem>>, vector<16xf32>,
      %broadcast_in_dim3A_77 = arith.constant 0 : i32
      %broadcast_in_dim3A_78 = vector.broadcast %broadcast_in_dim3A_77 : i32 to vector<16xi32>
      %swap3A_79 = arith.constant 88 : index
      %swap3A_80 = tpu.vector_load %arg18[%swap3A_79] {strides = array<i32>} : memref<104xi32, #tpu.memory_space<vmem>>, vector<16xi32>,
      tpu.vector_store %arg18[%swap3A_79], %broadcast_in_dim3A_78 {strides = array<i32>} : memref<104xi32, #tpu.memory_space<vmem>>, vector<16xi32>,
      %broadcast_in_dim3A_81 = arith.constant 0.000000e+00 : f32
      %broadcast_in_dim3A_82 = vector.broadcast %broadcast_in_dim3A_81 : f32 to vector<16xf32>
      %swap3A_83 = arith.constant 400 : index
      %swap3A_84 = tpu.vector_load %arg19[%swap3A_83] {strides = array<i32>} : memref<416xf32, #tpu.memory_space<vmem>>, vector<16xf32>,
      tpu.vector_store %arg19[%swap3A_83], %broadcast_in_dim3A_82 {strides = array<i32>} : memref<416xf32, #tpu.memory_space<vmem>>, vector<16xf32>,
      %scan3A_85 = arith.constant 0 : i32
      %scan3A_86 = arith.constant 0 : i32
      %scan3A_87 = arith.constant 100 : i32
      %scan3A_88 = arith.addi %scan3A_86, %scan3A_87 : i32
      %scan3A_89 = arith.constant 1 : i32
      scf.for %scan3A_99 = %scan3A_86 to %scan3A_88 step %scan3A_89  : i32 {
        %broadcast_in_dim3A_100 = arith.constant -3.000000e+38 : f32
        %broadcast_in_dim3A_101 = vector.broadcast %broadcast_in_dim3A_100 : f32 to vector<16xf32>
        %broadcast_in_dim3A_102 = arith.constant 0 : i32
        %broadcast_in_dim3A_103 = vector.broadcast %broadcast_in_dim3A_102 : i32 to vector<16xi32>
        %get3A = arith.constant 0 : index
        %get3A_104 = tpu.vector_load %arg15[%get3A] {strides = array<i32>} : memref<48xf32, #tpu.memory_space<vmem>>, vector<16xf32>,
        %gt3A = arith.cmpf ogt, %get3A_104, %broadcast_in_dim3A_101 : vector<16xf32>
        %select_n3A_105 = arith.select %gt3A, %get3A_104, %broadcast_in_dim3A_101 : vector<16xi1>, vector<16xf32>
        %add3A_106 = arith.constant 0 : i32
        %add3A_107 = vector.broadcast %add3A_106 : i32 to vector<16xi32>
        %add3A_108 = arith.addi %add3A_107, %iota3A : vector<16xi32>
        %select_n3A_109 = arith.select %gt3A, %add3A_108, %broadcast_in_dim3A_103 : vector<16xi1>, vector<16xi32>
        %get3A_110 = arith.constant 16 : index
        %get3A_111 = tpu.vector_load %arg15[%get3A_110] {strides = array<i32>} : memref<48xf32, #tpu.memory_space<vmem>>, vector<16xf32>,
        %gt3A_112 = arith.cmpf ogt, %get3A_111, %select_n3A_105 : vector<16xf32>
        %select_n3A_113 = arith.select %gt3A_112, %get3A_111, %select_n3A_105 : vector<16xi1>, vector<16xf32>
        %add3A_114 = arith.constant 16 : i32
        %add3A_115 = vector.broadcast %add3A_114 : i32 to vector<16xi32>
        %add3A_116 = arith.addi %add3A_115, %iota3A : vector<16xi32>
        %select_n3A_117 = arith.select %gt3A_112, %add3A_116, %select_n3A_109 : vector<16xi1>, vector<16xi32>
        %get3A_118 = arith.constant 32 : index
        %get3A_119 = tpu.vector_load %arg15[%get3A_118] {strides = array<i32>} : memref<48xf32, #tpu.memory_space<vmem>>, vector<16xf32>,
        %gt3A_120 = arith.cmpf ogt, %get3A_119, %select_n3A_113 : vector<16xf32>
        %select_n3A_121 = arith.select %gt3A_120, %get3A_119, %select_n3A_113 : vector<16xi1>, vector<16xf32>
        %add3A_122 = arith.constant 32 : i32
        %add3A_123 = vector.broadcast %add3A_122 : i32 to vector<16xi32>
        %add3A_124 = arith.addi %add3A_123, %iota3A : vector<16xi32>
        %select_n3A_125 = arith.select %gt3A_120, %add3A_124, %select_n3A_117 : vector<16xi1>, vector<16xi32>
        %reduce_max3A = arith.constant true
        %reduce_max3A_126 = vector.broadcast %reduce_max3A : i1 to vector<16xi1>
        %reduce_max3A_127 = tpu.scan <max>, %select_n3A_121 masked %reduce_max3A_126 : vector<16xf32>, vector<16xi1> -> vector<16xf32>
        %reduce_max3A_128 = vector.extract %reduce_max3A_127[15] : f32 from vector<16xf32>
        %eq3A_129 = vector.broadcast %reduce_max3A_128 : f32 to vector<16xf32>
        %eq3A_130 = arith.cmpf oeq, %select_n3A_121, %eq3A_129 : vector<16xf32>
        %jit3A_131 = arith.constant 100000 : i32
        %broadcast_in_dim3A_132 = vector.broadcast %jit3A_131 : i32 to vector<16xi32>
        %select_n3A_133 = arith.select %eq3A_130, %select_n3A_125, %broadcast_in_dim3A_132 : vector<16xi1>, vector<16xi32>
        %reduce_min3A = arith.constant true
        %reduce_min3A_134 = vector.broadcast %reduce_min3A : i1 to vector<16xi1>
        %reduce_min3A_135 = arith.constant -2147483648 : i32
        %reduce_min3A_136 = vector.broadcast %reduce_min3A_135 : i32 to vector<16xi32>
        %reduce_min3A_137 = arith.xori %select_n3A_133, %reduce_min3A_136 : vector<16xi32>
        %reduce_min3A_138 = tpu.scan <min>, %reduce_min3A_137 masked %reduce_min3A_134 : vector<16xi32>, vector<16xi1> -> vector<16xi32>
        %reduce_min3A_139 = arith.xori %reduce_min3A_138, %reduce_min3A_136 : vector<16xi32>
        %reduce_min3A_140 = vector.extract %reduce_min3A_139[15] : i32 from vector<16xi32>
        %mul3A_141 = arith.constant 16 : i32
        %mul3A_142 = arith.muli %reduce_min3A_140, %mul3A_141 : i32
        %get3A_143 = arith.index_cast %mul3A_142 : i32 to index
        %get3A_144 = tpu.vector_load %arg11[%get3A_143] {strides = array<i32>} : memref<640xf32, #tpu.memory_space<vmem>>, vector<16xf32>,
        %eq3A_145 = vector.broadcast %reduce_max3A_128 : f32 to vector<16xf32>
        %eq3A_146 = arith.cmpf oeq, %get3A_144, %eq3A_145 : vector<16xf32>
        %jit3A_147 = arith.constant 16 : i32
        %broadcast_in_dim3A_148 = vector.broadcast %jit3A_147 : i32 to vector<16xi32>
        %select_n3A_149 = arith.select %eq3A_146, %iota3A, %broadcast_in_dim3A_148 : vector<16xi1>, vector<16xi32>
        %reduce_min3A_150 = arith.constant true
        %reduce_min3A_151 = vector.broadcast %reduce_min3A_150 : i1 to vector<16xi1>
        %reduce_min3A_152 = arith.constant -2147483648 : i32
        %reduce_min3A_153 = vector.broadcast %reduce_min3A_152 : i32 to vector<16xi32>
        %reduce_min3A_154 = arith.xori %select_n3A_149, %reduce_min3A_153 : vector<16xi32>
        %reduce_min3A_155 = tpu.scan <min>, %reduce_min3A_154 masked %reduce_min3A_151 : vector<16xi32>, vector<16xi1> -> vector<16xi32>
        %reduce_min3A_156 = arith.xori %reduce_min3A_155, %reduce_min3A_153 : vector<16xi32>
        %reduce_min3A_157 = vector.extract %reduce_min3A_156[15] : i32 from vector<16xi32>
        %mul3A_158 = arith.constant 16 : i32
        %mul3A_159 = arith.muli %reduce_min3A_140, %mul3A_158 : i32
        %add3A_160 = arith.addi %mul3A_159, %reduce_min3A_157 : i32
        %lt3A_161 = arith.constant 8 : i32
        %lt3A_162 = vector.broadcast %lt3A_161 : i32 to vector<16xi32>
        %lt3A_163 = arith.cmpi slt, %iota3A, %lt3A_162 : vector<16xi32>
        %mul3A_164 = arith.constant 8 : i32
        %mul3A_165 = arith.muli %add3A_160, %mul3A_164 : i32
        %get3A_166 = arith.index_cast %mul3A_165 : i32 to index
        %get3A_167 = tpu.vector_load %arg10[%get3A_166] {strides = array<i32>} : memref<5128xf32, #tpu.memory_space<vmem>>, vector<16xf32>,
        %eq3A_168 = vector.broadcast %reduce_max3A_128 : f32 to vector<16xf32>
        %eq3A_169 = arith.cmpf oeq, %get3A_167, %eq3A_168 : vector<16xf32>
        %and3A_170 = arith.andi %eq3A_169, %lt3A_163 : vector<16xi1>
        %jit3A_171 = arith.constant 16 : i32
        %broadcast_in_dim3A_172 = vector.broadcast %jit3A_171 : i32 to vector<16xi32>
        %select_n3A_173 = arith.select %and3A_170, %iota3A, %broadcast_in_dim3A_172 : vector<16xi1>, vector<16xi32>
        %reduce_min3A_174 = arith.constant true
        %reduce_min3A_175 = vector.broadcast %reduce_min3A_174 : i1 to vector<16xi1>
        %reduce_min3A_176 = arith.constant -2147483648 : i32
        %reduce_min3A_177 = vector.broadcast %reduce_min3A_176 : i32 to vector<16xi32>
        %reduce_min3A_178 = arith.xori %select_n3A_173, %reduce_min3A_177 : vector<16xi32>
        %reduce_min3A_179 = tpu.scan <min>, %reduce_min3A_178 masked %reduce_min3A_175 : vector<16xi32>, vector<16xi1> -> vector<16xi32>
        %reduce_min3A_180 = arith.xori %reduce_min3A_179, %reduce_min3A_177 : vector<16xi32>
        %reduce_min3A_181 = vector.extract %reduce_min3A_180[15] : i32 from vector<16xi32>
        %mul3A_182 = arith.constant 8 : i32
        %mul3A_183 = arith.muli %add3A_160, %mul3A_182 : i32
        %add3A_184 = arith.addi %mul3A_183, %reduce_min3A_181 : i32
        %gt3A_185 = arith.constant -1.000000e+29 : f32
        %gt3A_186 = arith.cmpf ogt, %reduce_max3A_128, %gt3A_185 : f32
        %jit3A_187 = arith.constant 0xFF800000 : f32
        %select_n3A_188 = arith.select %gt3A_186, %reduce_max3A_128, %jit3A_187 : f32
        %mul3A_189 = arith.constant 8 : i32
        %mul3A_190 = arith.muli %add3A_160, %mul3A_189 : i32
        %get3A_191 = arith.index_cast %mul3A_190 : i32 to index
        %get3A_192 = tpu.vector_load %arg12[%get3A_191] {strides = array<i32>} : memref<5128xi32, #tpu.memory_space<vmem>>, vector<16xi32>,
        %eq3A_193 = vector.broadcast %reduce_min3A_181 : i32 to vector<16xi32>
        %eq3A_194 = arith.cmpi eq, %iota3A, %eq3A_193 : vector<16xi32>
        %jit3A_195 = arith.constant -1 : i32
        %broadcast_in_dim3A_196 = vector.broadcast %jit3A_195 : i32 to vector<16xi32>
        %select_n3A_197 = arith.select %eq3A_194, %get3A_192, %broadcast_in_dim3A_196 : vector<16xi1>, vector<16xi32>
        %reduce_max3A_198 = arith.constant true
        %reduce_max3A_199 = vector.broadcast %reduce_max3A_198 : i1 to vector<16xi1>
        %reduce_max3A_200 = arith.constant -2147483648 : i32
        %reduce_max3A_201 = vector.broadcast %reduce_max3A_200 : i32 to vector<16xi32>
        %reduce_max3A_202 = arith.xori %select_n3A_197, %reduce_max3A_201 : vector<16xi32>
        %reduce_max3A_203 = tpu.scan <max>, %reduce_max3A_202 masked %reduce_max3A_199 : vector<16xi32>, vector<16xi1> -> vector<16xi32>
        %reduce_max3A_204 = arith.xori %reduce_max3A_203, %reduce_max3A_201 : vector<16xi32>
        %reduce_max3A_205 = vector.extract %reduce_max3A_204[15] : i32 from vector<16xi32>
        %lt3A_206 = arith.constant 4 : i32
        %lt3A_207 = vector.broadcast %lt3A_206 : i32 to vector<16xi32>
        %lt3A_208 = arith.cmpi slt, %iota3A, %lt3A_207 : vector<16xi32>
        %mul3A_209 = arith.constant 4 : i32
        %mul3A_210 = arith.muli %add3A_184, %mul3A_209 : i32
        %add3A_211 = vector.broadcast %mul3A_210 : i32 to vector<16xi32>
        %add3A_212 = arith.addi %add3A_211, %iota3A : vector<16xi32>
        %jit3A_213 = arith.constant 0 : i32
        %broadcast_in_dim3A_214 = vector.broadcast %jit3A_213 : i32 to vector<16xi32>
        %select_n3A_215 = arith.select %lt3A_208, %add3A_212, %broadcast_in_dim3A_214 : vector<16xi1>, vector<16xi32>
        %gather3A_216 = tpu.vector_load_idx %arg13[%select_n3A_215] masked %lt3A_208 : memref<20000xf32, #tpu.memory_space<vmem>>[vector<16xi32>], vector<16xf32>, vector<16xi1>
        %eq3A_217 = arith.constant 0 : i32
        %eq3A_218 = vector.broadcast %eq3A_217 : i32 to vector<16xi32>
        %eq3A_219 = arith.cmpi eq, %iota3A, %eq3A_218 : vector<16xi32>
        %jit3A_220 = arith.constant -3.000000e+38 : f32
        %broadcast_in_dim3A_221 = vector.broadcast %jit3A_220 : f32 to vector<16xf32>
        %select_n3A_222 = arith.select %eq3A_219, %gather3A_216, %broadcast_in_dim3A_221 : vector<16xi1>, vector<16xf32>
        %reduce_max3A_223 = arith.constant true
        %reduce_max3A_224 = vector.broadcast %reduce_max3A_223 : i1 to vector<16xi1>
        %reduce_max3A_225 = tpu.scan <max>, %select_n3A_222 masked %reduce_max3A_224 : vector<16xf32>, vector<16xi1> -> vector<16xf32>
        %reduce_max3A_226 = vector.extract %reduce_max3A_225[15] : f32 from vector<16xf32>
        %eq3A_227 = arith.constant 1 : i32
        %eq3A_228 = vector.broadcast %eq3A_227 : i32 to vector<16xi32>
        %eq3A_229 = arith.cmpi eq, %iota3A, %eq3A_228 : vector<16xi32>
        %jit3A_230 = arith.constant -3.000000e+38 : f32
        %broadcast_in_dim3A_231 = vector.broadcast %jit3A_230 : f32 to vector<16xf32>
        %select_n3A_232 = arith.select %eq3A_229, %gather3A_216, %broadcast_in_dim3A_231 : vector<16xi1>, vector<16xf32>
        %reduce_max3A_233 = arith.constant true
        %reduce_max3A_234 = vector.broadcast %reduce_max3A_233 : i1 to vector<16xi1>
        %reduce_max3A_235 = tpu.scan <max>, %select_n3A_232 masked %reduce_max3A_234 : vector<16xf32>, vector<16xi1> -> vector<16xf32>
        %reduce_max3A_236 = vector.extract %reduce_max3A_235[15] : f32 from vector<16xf32>
        %eq3A_237 = arith.constant 2 : i32
        %eq3A_238 = vector.broadcast %eq3A_237 : i32 to vector<16xi32>
        %eq3A_239 = arith.cmpi eq, %iota3A, %eq3A_238 : vector<16xi32>
        %jit3A_240 = arith.constant -3.000000e+38 : f32
        %broadcast_in_dim3A_241 = vector.broadcast %jit3A_240 : f32 to vector<16xf32>
        %select_n3A_242 = arith.select %eq3A_239, %gather3A_216, %broadcast_in_dim3A_241 : vector<16xi1>, vector<16xf32>
        %reduce_max3A_243 = arith.constant true
        %reduce_max3A_244 = vector.broadcast %reduce_max3A_243 : i1 to vector<16xi1>
        %reduce_max3A_245 = tpu.scan <max>, %select_n3A_242 masked %reduce_max3A_244 : vector<16xf32>, vector<16xi1> -> vector<16xf32>
        %reduce_max3A_246 = vector.extract %reduce_max3A_245[15] : f32 from vector<16xf32>
        %eq3A_247 = arith.constant 3 : i32
        %eq3A_248 = vector.broadcast %eq3A_247 : i32 to vector<16xi32>
        %eq3A_249 = arith.cmpi eq, %iota3A, %eq3A_248 : vector<16xi32>
        %jit3A_250 = arith.constant -3.000000e+38 : f32
        %broadcast_in_dim3A_251 = vector.broadcast %jit3A_250 : f32 to vector<16xf32>
        %select_n3A_252 = arith.select %eq3A_249, %gather3A_216, %broadcast_in_dim3A_251 : vector<16xi1>, vector<16xf32>
        %reduce_max3A_253 = arith.constant true
        %reduce_max3A_254 = vector.broadcast %reduce_max3A_253 : i1 to vector<16xi1>
        %reduce_max3A_255 = tpu.scan <max>, %select_n3A_252 masked %reduce_max3A_254 : vector<16xf32>, vector<16xi1> -> vector<16xf32>
        %reduce_max3A_256 = vector.extract %reduce_max3A_255[15] : f32 from vector<16xf32>
        %and3A_257 = arith.constant 1 : i32
        %and3A_258 = vector.broadcast %and3A_257 : i32 to vector<16xi32>
        %and3A_259 = arith.andi %iota3A, %and3A_258 : vector<16xi32>
        %eq3A_260 = arith.constant 0 : i32
        %eq3A_261 = vector.broadcast %eq3A_260 : i32 to vector<16xi32>
        %eq3A_262 = arith.cmpi eq, %and3A_259, %eq3A_261 : vector<16xi32>
        %broadcast_in_dim3A_263 = vector.broadcast %reduce_max3A_226 : f32 to vector<16xf32>
        %broadcast_in_dim3A_264 = vector.broadcast %reduce_max3A_236 : f32 to vector<16xf32>
        %select_n3A_265 = arith.select %eq3A_262, %broadcast_in_dim3A_263, %broadcast_in_dim3A_264 : vector<16xi1>, vector<16xf32>
        %and3A_266 = arith.constant 1 : i32
        %and3A_267 = vector.broadcast %and3A_266 : i32 to vector<16xi32>
        %and3A_268 = arith.andi %iota3A, %and3A_267 : vector<16xi32>
        %eq3A_269 = arith.constant 0 : i32
        %eq3A_270 = vector.broadcast %eq3A_269 : i32 to vector<16xi32>
        %eq3A_271 = arith.cmpi eq, %and3A_268, %eq3A_270 : vector<16xi32>
        %broadcast_in_dim3A_272 = vector.broadcast %reduce_max3A_246 : f32 to vector<16xf32>
        %broadcast_in_dim3A_273 = vector.broadcast %reduce_max3A_256 : f32 to vector<16xf32>
        %select_n3A_274 = arith.select %eq3A_271, %broadcast_in_dim3A_272, %broadcast_in_dim3A_273 : vector<16xi1>, vector<16xf32>
        %mul3A_275 = arith.mulf %select_n3A_64, %select_n3A_274 : vector<16xf32>
        %add3A_276 = arith.addf %select_n3A_265, %mul3A_275 : vector<16xf32>
        %mul3A_277 = arith.mulf %add3A_276, %select_n3A : vector<16xf32>
        %broadcast_in_dim3A_278 = vector.broadcast %scan3A_99 : i32 to vector<16xi32>
        %broadcast_in_dim3A_279 = vector.broadcast %select_n3A_188 : f32 to vector<16xf32>
        tpu.vector_store_idx %arg17[%broadcast_in_dim3A_278], %broadcast_in_dim3A_279 masked %eq3A_44 : memref<104xf32, #tpu.memory_space<vmem>>[vector<16xi32>], vector<16xf32>, vector<16xi1>
        %broadcast_in_dim3A_280 = vector.broadcast %scan3A_99 : i32 to vector<16xi32>
        %broadcast_in_dim3A_281 = vector.broadcast %reduce_max3A_205 : i32 to vector<16xi32>
        tpu.vector_store_idx %arg18[%broadcast_in_dim3A_280], %broadcast_in_dim3A_281 masked %eq3A_44 : memref<104xi32, #tpu.memory_space<vmem>>[vector<16xi32>], vector<16xi32>, vector<16xi1>
        %mul3A_282 = arith.constant 4 : i32
        %mul3A_283 = arith.muli %scan3A_99, %mul3A_282 : i32
        %add3A_284 = vector.broadcast %mul3A_283 : i32 to vector<16xi32>
        %add3A_285 = arith.addi %add3A_284, %iota3A : vector<16xi32>
        tpu.vector_store_idx %arg19[%add3A_285], %mul3A_277 masked %lt3A_208 : memref<416xf32, #tpu.memory_space<vmem>>[vector<16xi32>], vector<16xf32>, vector<16xi1>
        %eq3A_286 = vector.broadcast %reduce_min3A_181 : i32 to vector<16xi32>
        %eq3A_287 = arith.cmpi eq, %iota3A, %eq3A_286 : vector<16xi32>
        %jit3A_288 = arith.constant -3.000000e+38 : f32
        %broadcast_in_dim3A_289 = vector.broadcast %jit3A_288 : f32 to vector<16xf32>
        %select_n3A_290 = arith.select %eq3A_287, %broadcast_in_dim3A_289, %get3A_167 : vector<16xi1>, vector<16xf32>
        %mul3A_291 = arith.constant 8 : i32
        %mul3A_292 = arith.muli %add3A_160, %mul3A_291 : i32
        %swap3A_293 = arith.index_cast %mul3A_292 : i32 to index
        %swap3A_294 = tpu.vector_load %arg10[%swap3A_293] {strides = array<i32>} : memref<5128xf32, #tpu.memory_space<vmem>>, vector<16xf32>,
        tpu.vector_store %arg10[%swap3A_293], %select_n3A_290 {strides = array<i32>} : memref<5128xf32, #tpu.memory_space<vmem>>, vector<16xf32>,
        %jit3A_295 = arith.constant -3.000000e+38 : f32
        %broadcast_in_dim3A_296 = vector.broadcast %jit3A_295 : f32 to vector<16xf32>
        %select_n3A_297 = arith.select %lt3A_163, %select_n3A_290, %broadcast_in_dim3A_296 : vector<16xi1>, vector<16xf32>
        %reduce_max3A_298 = arith.constant true
        %reduce_max3A_299 = vector.broadcast %reduce_max3A_298 : i1 to vector<16xi1>
        %reduce_max3A_300 = tpu.scan <max>, %select_n3A_297 masked %reduce_max3A_299 : vector<16xf32>, vector<16xi1> -> vector<16xf32>
        %reduce_max3A_301 = vector.extract %reduce_max3A_300[15] : f32 from vector<16xf32>
        %broadcast_in_dim3A_302 = vector.broadcast %add3A_160 : i32 to vector<16xi32>
        %broadcast_in_dim3A_303 = vector.broadcast %reduce_max3A_301 : f32 to vector<16xf32>
        tpu.vector_store_idx %arg11[%broadcast_in_dim3A_302], %broadcast_in_dim3A_303 masked %eq3A_44 : memref<640xf32, #tpu.memory_space<vmem>>[vector<16xi32>], vector<16xf32>, vector<16xi1>
        %eq3A_304 = vector.broadcast %reduce_min3A_157 : i32 to vector<16xi32>
        %eq3A_305 = arith.cmpi eq, %iota3A, %eq3A_304 : vector<16xi32>
        %broadcast_in_dim3A_306 = vector.broadcast %reduce_max3A_301 : f32 to vector<16xf32>
        %select_n3A_307 = arith.select %eq3A_305, %broadcast_in_dim3A_306, %get3A_144 : vector<16xi1>, vector<16xf32>
        %broadcast_in_dim3A_308 = vector.broadcast %reduce_min3A_140 : i32 to vector<16xi32>
        %reduce_max3A_309 = arith.constant true
        %reduce_max3A_310 = vector.broadcast %reduce_max3A_309 : i1 to vector<16xi1>
        %reduce_max3A_311 = tpu.scan <max>, %select_n3A_307 masked %reduce_max3A_310 : vector<16xf32>, vector<16xi1> -> vector<16xf32>
        %reduce_max3A_312 = vector.extract %reduce_max3A_311[15] : f32 from vector<16xf32>
        %broadcast_in_dim3A_313 = vector.broadcast %reduce_max3A_312 : f32 to vector<16xf32>
        tpu.vector_store_idx %arg15[%broadcast_in_dim3A_308], %broadcast_in_dim3A_313 masked %eq3A_44 : memref<48xf32, #tpu.memory_space<vmem>>[vector<16xi32>], vector<16xf32>, vector<16xi1>
      }
      %scan3A_90 = arith.constant 100 : i32
      %mul3A_91 = arith.constant 104 : i32
      %mul3A_92 = arith.muli %add3A, %mul3A_91 : i32
      "tpu.region"() ({
        %run_scoped3A = tpu.sem_alloc : memref<!tpu.dma_semaphore, #tpu.memory_space<semaphore_mem>>
        %dma_start3A_99 = tpu.memref_slice %arg7[%mul3A_92] : memref<1664xf32, #tpu.memory_space<hbm>> -> memref<104xf32, #tpu.memory_space<hbm>>
        %dma_start3A_100 = tpu.memref_slice %arg7[%mul3A_92] : memref<1664xf32, #tpu.memory_space<hbm>> -> memref<104xf32, #tpu.memory_space<hbm>>
        tpu.enqueue_dma source(%arg17 : memref<104xf32, #tpu.memory_space<vmem>>) target(%dma_start3A_100 : memref<104xf32, #tpu.memory_space<hbm>>) target_semaphore(%run_scoped3A : memref<!tpu.dma_semaphore, #tpu.memory_space<semaphore_mem>>)
        %dma_wait3A_101 = tpu.memref_slice %arg7[%mul3A_92] : memref<1664xf32, #tpu.memory_space<hbm>> -> memref<104xf32, #tpu.memory_space<hbm>>
        %dma_wait3A_102 = tpu.memref_slice %arg7[%mul3A_92] : memref<1664xf32, #tpu.memory_space<hbm>> -> memref<104xf32, #tpu.memory_space<hbm>>
        tpu.wait_dma2 semaphore(%run_scoped3A : memref<!tpu.dma_semaphore, #tpu.memory_space<semaphore_mem>>) src(%arg17 : memref<104xf32, #tpu.memory_space<vmem>>) dst(%dma_wait3A_102 : memref<104xf32, #tpu.memory_space<hbm>>)
        tpu.yield
      }) : () -> ()
      %mul3A_93 = arith.constant 104 : i32
      %mul3A_94 = arith.muli %add3A, %mul3A_93 : i32
      "tpu.region"() ({
        %run_scoped3A = tpu.sem_alloc : memref<!tpu.dma_semaphore, #tpu.memory_space<semaphore_mem>>
        %dma_start3A_99 = tpu.memref_slice %arg8[%mul3A_94] : memref<1664xi32, #tpu.memory_space<hbm>> -> memref<104xi32, #tpu.memory_space<hbm>>
        %dma_start3A_100 = tpu.memref_slice %arg8[%mul3A_94] : memref<1664xi32, #tpu.memory_space<hbm>> -> memref<104xi32, #tpu.memory_space<hbm>>
        tpu.enqueue_dma source(%arg18 : memref<104xi32, #tpu.memory_space<vmem>>) target(%dma_start3A_100 : memref<104xi32, #tpu.memory_space<hbm>>) target_semaphore(%run_scoped3A : memref<!tpu.dma_semaphore, #tpu.memory_space<semaphore_mem>>)
        %dma_wait3A_101 = tpu.memref_slice %arg8[%mul3A_94] : memref<1664xi32, #tpu.memory_space<hbm>> -> memref<104xi32, #tpu.memory_space<hbm>>
        %dma_wait3A_102 = tpu.memref_slice %arg8[%mul3A_94] : memref<1664xi32, #tpu.memory_space<hbm>> -> memref<104xi32, #tpu.memory_space<hbm>>
        tpu.wait_dma2 semaphore(%run_scoped3A : memref<!tpu.dma_semaphore, #tpu.memory_space<semaphore_mem>>) src(%arg18 : memref<104xi32, #tpu.memory_space<vmem>>) dst(%dma_wait3A_102 : memref<104xi32, #tpu.memory_space<hbm>>)
        tpu.yield
      }) : () -> ()
      %mul3A_95 = arith.constant 104 : i32
      %mul3A_96 = arith.muli %add3A, %mul3A_95 : i32
      %mul3A_97 = arith.constant 4 : i32
      %mul3A_98 = arith.muli %mul3A_96, %mul3A_97 : i32
      "tpu.region"() ({
        %run_scoped3A = tpu.sem_alloc : memref<!tpu.dma_semaphore, #tpu.memory_space<semaphore_mem>>
        %dma_start3A_99 = tpu.memref_slice %arg9[%mul3A_98] : memref<6656xf32, #tpu.memory_space<hbm>> -> memref<416xf32, #tpu.memory_space<hbm>>
        %dma_start3A_100 = tpu.memref_slice %arg9[%mul3A_98] : memref<6656xf32, #tpu.memory_space<hbm>> -> memref<416xf32, #tpu.memory_space<hbm>>
        tpu.enqueue_dma source(%arg19 : memref<416xf32, #tpu.memory_space<vmem>>) target(%dma_start3A_100 : memref<416xf32, #tpu.memory_space<hbm>>) target_semaphore(%run_scoped3A : memref<!tpu.dma_semaphore, #tpu.memory_space<semaphore_mem>>)
        %dma_wait3A_101 = tpu.memref_slice %arg9[%mul3A_98] : memref<6656xf32, #tpu.memory_space<hbm>> -> memref<416xf32, #tpu.memory_space<hbm>>
        %dma_wait3A_102 = tpu.memref_slice %arg9[%mul3A_98] : memref<6656xf32, #tpu.memory_space<hbm>> -> memref<416xf32, #tpu.memory_space<hbm>>
        tpu.wait_dma2 semaphore(%run_scoped3A : memref<!tpu.dma_semaphore, #tpu.memory_space<semaphore_mem>>) src(%arg19 : memref<416xf32, #tpu.memory_space<vmem>>) dst(%dma_wait3A_102 : memref<416xf32, #tpu.memory_space<hbm>>)
        tpu.yield
      }) : () -> ()
    } else {
    }
    return
  }
}

module attributes {stable_mosaic.version = 14 : i64} {
  func.func @_tc_body(%arg0: i32, %arg1: memref<1x5000x91xf32, #tpu.memory_space<vmem>>, %arg2: memref<1x640x8xf32, #tpu.memory_space<vmem>>, %arg3: memref<1x640x8xf32, #tpu.memory_space<vmem>>, %arg4: memref<1x640x1xf32, #tpu.memory_space<vmem>>, %arg5: memref<1x640x8xi32, #tpu.memory_space<vmem>>) attributes {dimension_semantics = [#tpu.dimension_semantics<parallel>], iteration_bounds = array<i64: 16>, scalar_prefetch = 0 : i64, scratch_operands = 0 : i64, tpu.core_type = #tpu.core_type<tc>, window_params = [{transform_indices = @transform_0, window_bounds = array<i64: 1, 5000, 91>}, {transform_indices = @transform_1, window_bounds = array<i64: 1, 640, 8>}, {transform_indices = @transform_2, window_bounds = array<i64: 1, 640, 8>}, {transform_indices = @transform_3, window_bounds = array<i64: 1, 640, 1>}, {transform_indices = @transform_4, window_bounds = array<i64: 1, 640, 8>}]} {
    %get3A = arith.constant 0 : index
    %get3A_0 = arith.constant 0 : index
    %get3A_1 = arith.constant 0 : index
    %get3A_2 = vector.load %arg1[%get3A, %get3A_0, %get3A_1] : memref<1x5000x91xf32, #tpu.memory_space<vmem>>, vector<1x5000x91xf32>
    %get3A_3 = vector.shape_cast %get3A_2 : vector<1x5000x91xf32> to vector<5000x91xf32>
    %reshape3A = vector.shape_cast %get3A_3 : vector<5000x91xf32> to vector<625x8x91xf32>
    %slice3A = vector.extract_strided_slice %reshape3A {offsets = [0, 0, 0], sizes = [625, 8, 90], strides = [1, 1, 1]} : vector<625x8x91xf32> to vector<625x8x90xf32>
    %reduce_max3A = arith.constant dense<0xFF800000> : vector<625x8xf32>
    %reduce_max3A_4 = vector.multi_reduction <maximumf>, %slice3A, %reduce_max3A [2] : vector<625x8x90xf32> to vector<625x8xf32>
    %iota3A = tpu.iota {dimensions = array<i32: 2>} : vector<625x8x90xi32>
    %broadcast_in_dim3A = vector.shape_cast %reduce_max3A_4 : vector<625x8xf32> to vector<625x8x1xf32>
    %eq3A = vector.broadcast %broadcast_in_dim3A : vector<625x8x1xf32> to vector<625x8x90xf32>
    %eq3A_5 = arith.cmpf oeq, %slice3A, %eq3A : vector<625x8x90xf32>
    %jit3A = arith.constant 1000000 : i32
    %broadcast_in_dim3A_6 = vector.broadcast %jit3A : i32 to vector<625x8x90xi32>
    %select_n3A = arith.select %eq3A_5, %iota3A, %broadcast_in_dim3A_6 : vector<625x8x90xi1>, vector<625x8x90xi32>
    %reduce_min3A = arith.constant dense<2147483647> : vector<625x8xi32>
    %reduce_min3A_7 = vector.multi_reduction <minsi>, %select_n3A, %reduce_min3A [2] : vector<625x8x90xi32> to vector<625x8xi32>
    %get3A_8 = arith.constant 0 : index
    %get3A_9 = arith.constant 0 : index
    %get3A_10 = arith.constant 0 : index
    %get3A_11 = vector.load %arg2[%get3A_8, %get3A_9, %get3A_10] : memref<1x640x8xf32, #tpu.memory_space<vmem>>, vector<1x640x8xf32>
    %get3A_12 = vector.shape_cast %get3A_11 : vector<1x640x8xf32> to vector<640x8xf32>
    %slice3A_13 = vector.extract_strided_slice %get3A_12 {offsets = [0, 0], sizes = [625, 8], strides = [1, 1]} : vector<640x8xf32> to vector<625x8xf32>
    %neg3A = arith.constant 0.000000e+00 : f32
    %neg3A_14 = vector.broadcast %neg3A : f32 to vector<625x8xf32>
    %neg3A_15 = arith.subf %neg3A_14, %slice3A_13 : vector<625x8xf32>
    %exp3A = math.exp %neg3A_15 : vector<625x8xf32>
    %logistic3A = arith.negf %reduce_max3A_4 : vector<625x8xf32>
    %logistic3A_16 = math.exp %logistic3A : vector<625x8xf32>
    %logistic3A_17 = arith.constant 1.000000e+00 : f32
    %logistic3A_18 = vector.broadcast %logistic3A_17 : f32 to vector<625x8xf32>
    %logistic3A_19 = arith.addf %logistic3A_18, %logistic3A_16 : vector<625x8xf32>
    %logistic3A_20 = arith.divf %logistic3A_18, %logistic3A_19 : vector<625x8xf32>
    %mul3A = arith.mulf %exp3A, %logistic3A_20 : vector<625x8xf32>
    %sub3A = arith.constant 1.000000e+00 : f32
    %sub3A_21 = vector.broadcast %sub3A : f32 to vector<625x8xf32>
    %sub3A_22 = arith.subf %sub3A_21, %logistic3A_20 : vector<625x8xf32>
    %mul3A_23 = arith.mulf %exp3A, %sub3A_22 : vector<625x8xf32>
    %gt3A = arith.cmpf ogt, %mul3A_23, %mul3A : vector<625x8xf32>
    %select_n3A_24 = arith.select %gt3A, %mul3A_23, %mul3A : vector<625x8xi1>, vector<625x8xf32>
    %jit3A_25 = arith.constant 90 : i32
    %broadcast_in_dim3A_26 = vector.broadcast %jit3A_25 : i32 to vector<625x8xi32>
    %select_n3A_27 = arith.select %gt3A, %broadcast_in_dim3A_26, %reduce_min3A_7 : vector<625x8xi1>, vector<625x8xi32>
    %gt3A_28 = arith.constant 5.000000e-02 : f32
    %gt3A_29 = vector.broadcast %gt3A_28 : f32 to vector<625x8xf32>
    %gt3A_30 = arith.cmpf ogt, %select_n3A_24, %gt3A_29 : vector<625x8xf32>
    %iota3A_31 = tpu.iota {dimensions = array<i32: 0>} : vector<625x8xi32>
    %mul3A_32 = arith.constant 8 : i32
    %mul3A_33 = vector.broadcast %mul3A_32 : i32 to vector<625x8xi32>
    %mul3A_34 = arith.muli %iota3A_31, %mul3A_33 : vector<625x8xi32>
    %iota3A_35 = tpu.iota {dimensions = array<i32: 1>} : vector<625x8xi32>
    %add3A = arith.addi %mul3A_34, %iota3A_35 : vector<625x8xi32>
    %convert_element_type3A = arith.sitofp %add3A : vector<625x8xi32> to vector<625x8xf32>
    %mul3A_36 = arith.constant 1.000000e+24 : f32
    %mul3A_37 = vector.broadcast %mul3A_36 : f32 to vector<625x8xf32>
    %mul3A_38 = arith.mulf %convert_element_type3A, %mul3A_37 : vector<625x8xf32>
    %add3A_39 = arith.constant 1.000000e+30 : f32
    %add3A_40 = vector.broadcast %add3A_39 : f32 to vector<625x8xf32>
    %add3A_41 = arith.addf %add3A_40, %mul3A_38 : vector<625x8xf32>
    %neg3A_42 = arith.constant 0.000000e+00 : f32
    %neg3A_43 = vector.broadcast %neg3A_42 : f32 to vector<625x8xf32>
    %neg3A_44 = arith.subf %neg3A_43, %add3A_41 : vector<625x8xf32>
    %select_n3A_45 = arith.select %gt3A_30, %select_n3A_24, %neg3A_44 : vector<625x8xi1>, vector<625x8xf32>
    %iota3A_46 = tpu.iota {dimensions = array<i32: 0>} : vector<15x8xi32>
    %mul3A_47 = arith.constant 8 : i32
    %mul3A_48 = vector.broadcast %mul3A_47 : i32 to vector<15x8xi32>
    %mul3A_49 = arith.muli %iota3A_46, %mul3A_48 : vector<15x8xi32>
    %add3A_50 = arith.constant 5000 : i32
    %add3A_51 = vector.broadcast %add3A_50 : i32 to vector<15x8xi32>
    %add3A_52 = arith.addi %add3A_51, %mul3A_49 : vector<15x8xi32>
    %iota3A_53 = tpu.iota {dimensions = array<i32: 1>} : vector<15x8xi32>
    %add3A_54 = arith.addi %add3A_52, %iota3A_53 : vector<15x8xi32>
    %convert_element_type3A_55 = arith.sitofp %add3A_54 : vector<15x8xi32> to vector<15x8xf32>
    %mul3A_56 = arith.constant 1.000000e+24 : f32
    %mul3A_57 = vector.broadcast %mul3A_56 : f32 to vector<15x8xf32>
    %mul3A_58 = arith.mulf %convert_element_type3A_55, %mul3A_57 : vector<15x8xf32>
    %add3A_59 = arith.constant 1.000000e+30 : f32
    %add3A_60 = vector.broadcast %add3A_59 : f32 to vector<15x8xf32>
    %add3A_61 = arith.addf %add3A_60, %mul3A_58 : vector<15x8xf32>
    %neg3A_62 = arith.constant 0.000000e+00 : f32
    %neg3A_63 = vector.broadcast %neg3A_62 : f32 to vector<15x8xf32>
    %neg3A_64 = arith.subf %neg3A_63, %add3A_61 : vector<15x8xf32>
    %concatenate3A = tpu.concatenate %select_n3A_45, %neg3A_64 in 0 : vector<625x8xf32>, vector<15x8xf32> -> vector<640x8xf32>
    %swap3A = arith.constant 0 : index
    %swap3A_65 = arith.constant 0 : index
    %swap3A_66 = arith.constant 0 : index
    %swap3A_67 = vector.load %arg3[%swap3A, %swap3A_65, %swap3A_66] : memref<1x640x8xf32, #tpu.memory_space<vmem>>, vector<1x640x8xf32>
    %swap3A_68 = vector.shape_cast %swap3A_67 : vector<1x640x8xf32> to vector<640x8xf32>
    %swap3A_69 = vector.shape_cast %concatenate3A : vector<640x8xf32> to vector<1x640x8xf32>
    tpu.vector_store %arg3[%swap3A, %swap3A_65, %swap3A_66], %swap3A_69 {strides = array<i32>} : memref<1x640x8xf32, #tpu.memory_space<vmem>>, vector<1x640x8xf32>,
    %reduce_max3A_70 = arith.constant dense<0xFF800000> : vector<640xf32>
    %reduce_max3A_71 = vector.multi_reduction <maximumf>, %concatenate3A, %reduce_max3A_70 [1] : vector<640x8xf32> to vector<640xf32>
    %broadcast_in_dim3A_72 = vector.shape_cast %reduce_max3A_71 : vector<640xf32> to vector<640x1xf32>
    %swap3A_73 = arith.constant 0 : index
    %swap3A_74 = arith.constant 0 : index
    %swap3A_75 = arith.constant 0 : index
    %swap3A_76 = vector.load %arg4[%swap3A_73, %swap3A_74, %swap3A_75] : memref<1x640x1xf32, #tpu.memory_space<vmem>>, vector<1x640x1xf32>
    %swap3A_77 = vector.shape_cast %swap3A_76 : vector<1x640x1xf32> to vector<640x1xf32>
    %swap3A_78 = vector.shape_cast %broadcast_in_dim3A_72 : vector<640x1xf32> to vector<1x640x1xf32>
    tpu.vector_store %arg4[%swap3A_73, %swap3A_74, %swap3A_75], %swap3A_78 {strides = array<i32>} : memref<1x640x1xf32, #tpu.memory_space<vmem>>, vector<1x640x1xf32>,
    %swap3A_79 = arith.constant 0 : index
    %swap3A_80 = arith.constant 0 : index
    %swap3A_81 = arith.constant 0 : index
    %swap3A_82 = vector.load %arg5[%swap3A_79, %swap3A_80, %swap3A_81] : memref<1x640x8xi32, #tpu.memory_space<vmem>>, vector<1x625x8xi32>
    %swap3A_83 = vector.shape_cast %swap3A_82 : vector<1x625x8xi32> to vector<625x8xi32>
    %swap3A_84 = vector.shape_cast %select_n3A_27 : vector<625x8xi32> to vector<1x625x8xi32>
    tpu.vector_store %arg5[%swap3A_79, %swap3A_80, %swap3A_81], %swap3A_84 {strides = array<i32>} : memref<1x640x8xi32, #tpu.memory_space<vmem>>, vector<1x625x8xi32>,
    return
  }
  func.func @transform_0(%arg0: i32) -> (i32, i32, i32) {
    %c0_i32 = arith.constant 0 : i32
    %c0_i32_0 = arith.constant 0 : i32
    %c0_i32_1 = arith.constant 0 : i32
    return %arg0, %c0_i32, %c0_i32_0 : i32, i32, i32
  }
  func.func @transform_1(%arg0: i32) -> (i32, i32, i32) {
    %c0_i32 = arith.constant 0 : i32
    %c0_i32_0 = arith.constant 0 : i32
    %c0_i32_1 = arith.constant 0 : i32
    return %arg0, %c0_i32, %c0_i32_0 : i32, i32, i32
  }
  func.func @transform_2(%arg0: i32) -> (i32, i32, i32) {
    %c0_i32 = arith.constant 0 : i32
    %c0_i32_0 = arith.constant 0 : i32
    %c0_i32_1 = arith.constant 0 : i32
    return %arg0, %c0_i32, %c0_i32_0 : i32, i32, i32
  }
  func.func @transform_3(%arg0: i32) -> (i32, i32, i32) {
    %c0_i32 = arith.constant 0 : i32
    %c0_i32_0 = arith.constant 0 : i32
    %c0_i32_1 = arith.constant 0 : i32
    return %arg0, %c0_i32, %c0_i32_0 : i32, i32, i32
  }
  func.func @transform_4(%arg0: i32) -> (i32, i32, i32) {
    %c0_i32 = arith.constant 0 : i32
    %c0_i32_0 = arith.constant 0 : i32
    %c0_i32_1 = arith.constant 0 : i32
    return %arg0, %c0_i32, %c0_i32_0 : i32, i32, i32
  }
}

</mosaic_0001>

<sc_bundles>
// kernel: kernel.4.cloned.1.call-start
scs
__scs_entry_jumppad:
0x0: {  	(pc) =	sbr.rel $0x88, $3  }
0x1: {  	(tag) =	ssettag $0x0;
	lr =	simm.s32 $0x1  }
0x2: {  	[smem:$0x3F9D] =	sst lr;
	_ =	strace $0xD0000000  }
0x3: {  	_ = 	snop  }
0x4: {  	_ = 	snop  }
0x5: {  	_ = 	snop  }
0x6: {  	_ = 	snop  }
0x7: {  	_ = 	snop  }
__scs_overlays_trampoline_lowered:
0x8: {  	[smem:$0x3FAC] =	sst s0  }
0x9: {  	[smem:$0x3FAD] =	sst s1  }
0xa: {  	[smem:$0x3FAE] =	sst s2  }
0xb: {  	[smem:$0x3FAF] =	sst s3  }
0xc: {  	[smem:$0x3FB0] =	sst s4  }
0xd: {  	[smem:$0x3FB1] =	sst s5  }
0xe: {  	[smem:$0x3FB2] =	sst s6  }
0xf: {  	[smem:$0x3FB3] =	sst s7  }
0x10: {  	[smem:$0x3FB4] =	sst s8  }
0x11: {  	[smem:$0x3FB5] =	sst s9;
	s0 =	simm.s32 @!p0 $0x0  }
0x12: {  	s1 =	sld [smem:$0x3F9B];
	s0 =	simm.s32 @p0 $0x1  }
0x13: {  	[smem:$0x3FB6] =	sst s0;
	s0 =	simm.s32 @!p1 $0x0  }
0x14: {  	s2 =	sld [smem:$0x3F9A];
	s0 =	simm.s32 @p1 $0x1  }
0x15: {  	[smem:$0x3FB7] =	sst s0;
	s0 =	simm.s32 @!p2 $0x0  }
0x16: {  	s3 =	sld [smem:$0x3FDB];
	s0 =	simm.s32 @p2 $0x1  }
0x17: {  	s4 =	simm.s32 $0x1BF5;
	[smem:$0x3FB9] =	sst s0  }
0x18: {  	s0 =	sld [smem:$0x3F9C];
	_ =	swait.ge [sflag:s4], $0x0  }
0x19: {  	s7 =	sld [smem:$0x3F9D]  }
0x1a: {  	s8 =	sadd.s32 $0xFFFFE003, lr  }
0x1b: {  	s9 =	sadd.s32 $0xFFFFFEF7, lr;
	s5 =	simm.s32 $0xFFFFFFFF;
	p2 =	slt.u32 s8, $0xFFFFF086  }
0x1c: {  	p1 =	slt.u32 s9, $0xF7A;
	s5 =	simm.s32 @!p2 $0x0  }
0x1d: {  	s5 =	simm.s32 @p1 $0x1;
	p0 =	seq.s32 s7, s2  }
0x1e: {  	s7 =	smul.u32 @!p0 $0xF7A, s2;
	p2 =	seq.s32 @!p0 s5, $0x0  }
0x1f: {  	s9 =	smul.u32 $0xF7A, s1;
	s8 =	simm.s32 @!p0 $0x1BF5;
	p2 =	por !p2, p0  }
0x20: {  	[sflag:s8] =	ssyncset.s32 @!p0 $0xFFFFF086;
	s6 =	sadd.s32 @!p0 s3, s7;
	s7 =	simm.s32 @!p0 $0x108  }
0x21: {  	s3 =	sadd.s32 s3, s9;
	s6 =	sadd.s32 @!p0 $0x88, s6;
	s7 =	simm.s32 @p2 $0x1082  }
0x22: {  	[simem:s7], [sflag:s8] =	dma.local @!p0 [hbm:s6], $0xF7A  }
0x23: {  	s9 =	sor.u32 $0xD0000000, s2;
	s6 =	simm.s32 $0x108;
	_ =	swait.ge @!p0 [sflag:s8], $0x0  }
0x24: {  	s3 =	sadd.s32 $0x88, s3;
	s6 =	simm.s32 @!p1 $0x1082;
	[sflag:s4] =	ssyncset.s32 $0xFFFFF086  }
0x25: {  	[simem:s6], [sflag:s4] =	dma.local [hbm:s3], $0xF7A  }
0x26: {  	[smem:$0x3F9D] =	sst s1;
	(tag) =	ssettag s2;
	_ =	strace s9  }
0x27: {  	s1 =	sld [smem:$0x3FAD]  }
0x28: {  	s2 =	sld [smem:$0x3FAE]  }
0x29: {  	s4 =	sld [smem:$0x3FB0]  }
0x2a: {  	p0 =	seq.s32 s5, $0x0;
	s5 =	sld [smem:$0x3FB1]  }
0x2b: {  	s6 =	sld [smem:$0x3FB2]  }
0x2c: {  	s7 =	sld [smem:$0x3FB3]  }
0x2d: {  	s3 =	simm.s32 $0x108;
	s8 =	sld [smem:$0x3FB4]  }
0x2e: {  	s3 =	simm.s32 @!p0 $0x1082;
	s9 =	sld [smem:$0x3FB5]  }
0x2f: {  	lr =	sadd.s32 s0, s3;
	s0 =	sld [smem:$0x3FAC]  }
0x30: {  	s3 =	sld [smem:$0x3FAF]  }
0x31: {  	[smem:$0x3FB8] =	sst s10  }
0x32: {  	s10 =	sld [smem:$0x3FB6];
	_ =	sdelay $0x3  }
0x33: {  	p0 =	seq.s32 s10, $0x1;
	s10 =	sld [smem:$0x3FB8];
	_ =	sdelay $0x3  }
0x34: {  	[smem:$0x3FB8] =	sst s10  }
0x35: {  	s10 =	sld [smem:$0x3FB7];
	_ =	sdelay $0x3  }
0x36: {  	p1 =	seq.s32 s10, $0x1;
	s10 =	sld [smem:$0x3FB8];
	_ =	sdelay $0x3  }
0x37: {  	[smem:$0x3FB8] =	sst s10  }
0x38: {  	s10 =	sld [smem:$0x3FB9]  }
0x39: {  	_ = 	snop;
	(pc) =	sbr.ind lr, $3  }
0x3a: {  	_ = 	snop  }
0x3b: {  	_ = 	snop  }
0x3c: {  	p2 =	seq.s32 s10, $0x1;
	s10 =	sld [smem:$0x3FB8]  }
0x3d: {  	_ =	shalt  }
0x3e: {  	_ =	shalt  }
0x3f: {  	_ =	shalt  }
0x40: {  	_ =	shalt  }
0x41: {  	_ =	shalt  }
0x42: {  	_ =	shalt  }
0x43: {  	_ =	shalt  }
0x44: {  	_ =	shalt  }
0x45: {  	_ =	shalt  }
0x46: {  	_ =	shalt  }
0x47: {  	_ =	shalt  }
0x48: {  	_ =	shalt  }
0x49: {  	_ =	shalt  }
0x4a: {  	_ =	shalt  }
0x4b: {  	_ =	shalt  }
0x4c: {  	_ =	shalt  }
0x4d: {  	_ =	shalt  }
0x4e: {  	_ =	shalt  }
0x4f: {  	_ =	shalt  }
0x50: {  	_ =	shalt  }
0x51: {  	_ =	shalt  }
0x52: {  	_ =	shalt  }
0x53: {  	_ =	shalt  }
0x54: {  	_ =	shalt  }
0x55: {  	_ =	shalt  }
0x56: {  	_ =	shalt  }
0x57: {  	_ =	shalt  }
0x58: {  	_ =	shalt  }
0x59: {  	_ =	shalt  }
0x5a: {  	_ =	shalt  }
0x5b: {  	_ =	shalt  }
0x5c: {  	_ =	shalt  }
0x5d: {  	_ =	shalt  }
0x5e: {  	_ =	shalt  }
0x5f: {  	_ =	shalt  }
0x60: {  	_ =	shalt  }
0x61: {  	_ =	shalt  }
0x62: {  	_ =	shalt  }
0x63: {  	_ =	shalt  }
0x64: {  	_ =	shalt  }
0x65: {  	_ =	shalt  }
0x66: {  	_ =	shalt  }
0x67: {  	_ =	shalt  }
0x68: {  	_ =	shalt  }
0x69: {  	_ =	shalt  }
0x6a: {  	_ =	shalt  }
0x6b: {  	_ =	shalt  }
0x6c: {  	_ =	shalt  }
0x6d: {  	_ =	shalt  }
0x6e: {  	_ =	shalt  }
0x6f: {  	_ =	shalt  }
0x70: {  	_ =	shalt  }
0x71: {  	_ =	shalt  }
0x72: {  	_ =	shalt  }
0x73: {  	_ =	shalt  }
0x74: {  	_ =	shalt  }
0x75: {  	_ =	shalt  }
0x76: {  	_ =	shalt  }
0x77: {  	_ =	shalt  }
0x78: {  	_ =	shalt  }
0x79: {  	_ =	shalt  }
0x7a: {  	_ =	shalt  }
0x7b: {  	_ =	shalt  }
0x7c: {  	_ =	shalt  }
0x7d: {  	_ =	shalt  }
0x7e: {  	_ =	shalt  }
0x7f: {  	_ =	shalt  }
0x80: {  	_ =	shalt  }
0x81: {  	_ =	shalt  }
0x82: {  	_ =	shalt  }
0x83: {  	_ =	shalt  }
0x84: {  	_ =	shalt  }
0x85: {  	_ =	shalt  }
0x86: {  	_ =	shalt  }
0x87: {  	_ =	shalt  }
.Lfunc_end0:
.L_simem_size_0:
called_computation_lowered:
.L_overlay_start_0:
0x88: {  	s2 =	sld [smem:$0x3FD9]  }
0x89: {  	s3 =	sld [smem:$0x3FFE];
	_ =	sdelay $0x1  }
0x8a: {  	s1 =	srdreg.scid  }
0x8b: {  	s0 =	sand.u32 $0x1, s1  }
0x8c: {  	s14 =	sshll.u32 s0, $0xA;
	s2 =	sadd.s32 s3, s2  }
0x8d: {  	s2 =	sadd.s32 s2, s14  }
0x8e: {  	[smem:$0x3FC4] =	sst s2  }
0x8f: {  	_ = 	snop  }
0x90: {  	s2 =	sld [smem:$0x3FD0];
	_ =	sdelay $0x2  }
0x91: {  	s15 =	simm.s32 $0xA;
	s4 =	simm.s32 $0x10  }
0x92: {  	[smem:s4], [sflag:s15] =	dma.local [hbm:s2], $0x1  }
0x93: {  	_ =	swait.eq [sflag:s15], $0x1  }
0x94: {  	[sflag:s15] =	ssyncset.done $0x0  }
0x95: {  	[sflag:s15] =	ssyncadd.s32 $0xFFFFFFFF  }
0x96: {  	s16 =	sld [smem:$0x11];
	(tm) =	ssettm $0x1  }
0x97: {  	s17 =	sld [smem:$0x3FFB];
	_ =	sdelay $0x3  }
0x98: {  	_ =	strace s17  }
0x99: {  	s3 =	sld [smem:$0x3FFC];
	_ =	sdelay $0x3  }
0x9a: {  	_ =	strace s3  }
0x9b: {  	s3 =	sld [smem:$0x3FFD];
	_ =	sdelay $0x3  }
0x9c: {  	_ =	strace s3  }
0x9d: {  	_ =	strace $0x8FFFFFFF  }
0x9e: {  	s18 =	sld [smem:$0x3FDB];
	_ =	sdelay $0x1  }
0x9f: {  	s19 =	simm.s32 $_scs_section_size  }
0xa0: {  	s5 =	simm.s32 $_size__tile_overlayer_lowered;
	s6 =	simm.s32 $_tile_overlayer_lowered  }
0xa1: {  	s22 =	simm.s32 $0x1BFF;
	s21 =	sshll.u32 s6, $0x1;
	s3 =	sadd.s32 s19, s18  }
0xa2: {  	s7 =	simm.s32 $0x0;
	s20 =	sshll.u32 s5, $0x1;
	s5 =	sadd.s32 s21, s3  }
0xa3: {  	[timem:s7], [sflag:s22] =	dma.local [hbm:s5], s20  }
0xa4: {  	_ =	swait.ge [sflag:s22], s20  }
0xa5: {  	s4 =	ssub.s32 $0x0, s20;
	[sflag:s22] =	ssyncset.done $0x0  }
0xa6: {  	[sflag:s22] =	ssyncadd.s32 s4;
	_ =	sdelay $0x1  }
0xa7: {  	s23 =	simm.s32 $0x1B8B  }
0xa8: {  	_ =	swait.ge [sflag:s23], $0x1  }
0xa9: {  	[sflag:s23] =	ssyncset.done $0x0  }
0xaa: {  	s25 =	simm.s32 $0x1B8E;
	s24 =	sld [smem:$0x3FFE];
	[sflag:s23] =	ssyncadd.s32 $0xFFFFFFFF  }
0xab: {  	s26 =	simm.s32 $execute0_lowered;
	[smem:$0x3FD2] =	sst s25  }
0xac: {  	s5 =	sshll.u32 s26, $0x1;
	_ =	strace $0x80000046;
	[dreg:$0x1] =	wrdreg $0xFFFFFFFF  }
0xad: {  	s28 =	simm.s32 $_size_execute0_lowered;
	s3 =	sadd.s32 s3, s5;
	[dreg:$0x0] =	wrdreg $0x0  }
0xae: {  	s5 =	sshll.u32 s28, $0x1;
	[dreg:$0x2] =	wrdreg s3  }
0xaf: {  	[dreg:$0x3] =	wrdreg s5  }
0xb0: {  	[dreg:$0x4] =	wrdreg $0xC0  }
0xb1: {  	_ =	task [dreg:s7], $0x5FFFF  }
0xb2: {  	[dreg:$0x1] =	wrdreg $0xFFFFFFFF  }
0xb3: {  	[dreg:$0x0] =	wrdreg $0x60  }
0xb4: {  	[dreg:$0x2] =	wrdreg s24  }
0xb5: {  	[dreg:$0x3] =	wrdreg s16  }
0xb6: {  	[dreg:$0x4] =	wrdreg $0x9  }
0xb7: {  	_ =	task.clear_ibuf [dreg:s7], $0x5FFFF;
	_ =	strace $0x90000046  }
0xb8: {  	s29 =	simm.s32 $0x9;
	_ =	strace $0x80000048  }
0xb9: {  	_ =	swait.ge [sflag:s29], $0x1  }
0xba: {  	[sflag:s29] =	ssyncadd.s32 $0xFFFFFFFF  }
0xbb: {  	_ =	strace $0x90000048  }
0xbc: {  	_ =	sfence  }
0xbd: {  	s30 =	sld [smem:$0x0];
	_ =	sdelay $0x2  }
0xbe: {  	s31 =	sshll.u32 s1, $0xD;
	s1 =	sshrl.u32 s1, $0x2  }
0xbf: {  	s3 =	sand.u32 $0x4000, s31;
	s1 =	sadd.s32 s1, s30  }
0xc0: {  	s0 =	sor.u32 s3, s0;
	s1 =	sshll.u32 s1, $0x11  }
0xc1: {  	s0 =	sor.u32 s1, s0  }
0xc2: {  	s0 =	sadd.s32 $0x8F2B, s0  }
0xc3: {  	[sflag:s0] =	ssyncadd.remote.s32 $0x1  }
0xc4: {  	_ =	sfence.sel $0xFFFF  }
0xc5: {  	[dreg:$0x0] =	wrdreg $0xFFFFFFFF;
	(pc) =	sbr.abs _section_cstart, $3  }
0xc6: {  	[dreg:$0x1] =	wrdreg $0xFFFFFFFF  }
0xc7: {  	_ =	task.clear_ibuf [dreg:s7], $0x2FFFF;
	_ =	strace $0x9FFFFFFF  }
0xc8: {  	(tm) =	ssettm $0x7FFFFFFF  }
0xc9: {  	_ =	shalt  }
tec
execute0_lowered:
.L_overlay_start_1:
0x0: {  	(tag) =	ssettag $0x1  }
0x1: {  	s1 =	stileid.u32  }
0x2: {  	p0 =	sgt.u32 s1, $0x7  }
.Ltmp0:
0x3: {  	_ = 	snop;
	(pc) =	sbr.rel @p0 .LBB2_7-.Ltmp0, $4  }
0x4: {  	_ = 	snop  }
0x5: {  	s4 =	rddreg [dreg:$0x0];
	s3 =	simm.s32 $0x0  }
0x6: {  	[smem:$0x7FF] =	sst s3  }
0x7: {  	s2 =	rddreg [dreg:$0x1];
	_ =	strace $0x80000047  }
0x8: {  	vm0 =	vcmask $0xB08;
	vm3 =	vcmask $0x300  }
0x9: {  	vm2 =	vcmask $0x1310;
	vm5 =	vcmask $0x2320;
	v1 =	vimm.s32 $0x80000010  }
0xa: {  	v5 =	vlaneseq.u32;
	v10 =	vimm.f32 $5.000000000e-01;
	vm6 =	vcmask $0x700  }
0xb: {  	s5 =	srdreg.scid;
	s26 =	sshll.u32 s1, $0x1;
	s12 =	sadd.s32 $0x1200, s4;
	vm1 =	vmor vm3, vm0;
	v2 =	vsel vm3, $0x80000000, v1;
	vm3 =	vcmask $0x704  }
0xc: {  	s11 =	sadd.s32 $0x6200, s4;
	s10 =	sadd.s32 $0x3A00, s4;
	s6 =	sand.u32 $0x1, s5;
	v8 =	vor.u32 $0x80000020, v5;
	v10 =	vsel vm6, $0xBF000000, v10;
	vm6 =	vmmov $0xff  }
0xd: {  	s29 =	sadd.s32 $0x13F000, s4;
	s16 =	simm.s32 $0x7A80;
	s8 =	sor.u32 s6, s26;
	vm4 =	vmor vm1, vm2;
	vm1 =	vcmask $0x1B18;
	v2 =	vsel vm3, $0x80000001, v2  }
0xe: {  	s17 =	simm.s32 $0x7B00;
	s18 =	simm.s32 $0x7B80;
	vm3 =	vcmask $0x3B38;
	vm4 =	vmor vm4, vm1;
	s28 =	smul.u32 $0xD, s8;
	v3 =	vsel vm0, $0x80000002, v2  }
0xf: {  	s19 =	simm.s32 $0x7C00;
	s5 =	sshll.u32 s8, $0x1;
	s7 =	smul.u32 $0x34, s8;
	v2 =	vimm.f32 $-3.000000010e+38;
	vm4 =	vmor vm4, vm5;
	vm5 =	vcmask $0x2B28  }
0x10: {  	s20 =	simm.s32 $0x1480;
	s9 =	sshllo.u32 s8, $0x1;
	s14 =	smul.u32 $0x9C4, s8;
	v0 =	vmov s5;
	vm4 =	vmor vm4, vm5;
	vm5 =	vcmask $0x3330  }
0x11: {  	s21 =	simm.s32 $0x2;
	s13 =	ssub.s32 $0x2, s6;
	s15 =	smul.u32 $0x280, s8;
	v1 =	vmov s9;
	vm4 =	vmor vm4, vm5;
	vm5 =	vcmask $0xF0C  }
0x12: {  	s22 =	simm.s32 $0x0;
	s30 =	sshrl.u32 s13, $0x1;
	s31 =	smul.u32 $0x50, s8;
	v0 =	vbroadcast v0, $0x0;
	vm0 =	vmor vm4, vm3;
	v4 =	vsel vm5, $0x80000003, v3  }
0x13: {  	s13 =	ssub.s32 s13, s30;
	s9 =	simm.s32 $0x1700;
	s5 =	sadd.s32 s28, s4;
	v3 =	vimm.f32 $0.0e+00;
	vm3 =	vcmask $0x308;
	vm4 =	vcmask $0x70C  }
0x14: {  	s7 =	sadd.s32 s7, s4;
	s8 =	sadd.s32 s10, s15;
	s10 =	simm.s32 $0x2B80;
	vm5 =	vcmask $0xB10;
	v6 =	vsel vm2, $0x80000004, v4;
	vm2 =	vcmask $0x1714  }
0x15: {  	s11 =	sadd.s32 s11, s31;
	s12 =	sadd.s32 s12, s15;
	s13 =	smax.u32 s13, $0x1;
	v4 =	vimm.s32 $0x0;
	v7 =	vsel vm2, $0x80000005, v6;
	v6 =	vor.u32 $0x80000000, v5  }
0x16: {  	s15 =	simm.s32 $0x1;
	s4 =	sadd.s32 $0x6E00, s5;
	s5 =	sadd.s32 $0x6C00, s5;
	vm2 =	vmmov $0x1;
	v9 =	vsel vm1, $0x80000006, v7;
	vm1 =	vcmask $0x1F1C  }
0x17: {  	s6 =	sadd.s32 $0x6800, s7;
	s7 =	sadd.s32 s29, s14;
	s14 =	simm.s32 $0x7A00;
	v7 =	vor.u32 $0x80000010, v5;
	v9 =	vsel vm1, $0x80000007, v9;
	vm1 =	vmmov $0xf  }
.LBB2_2:
0x18: {  	s23 =	simm.s32 $0x0  }
0x19: {  	[tilespmem:s23], [sflag:$0x1] =	stream.linear.gather [hbm4b:s12+s23], $0x1400, $0x38;
	[tilespmem:$0x7E00] =	vst v63  }
0x1a: {  	_ = 	snop  }
0x1b: {  	[tilespmem:s20], [sflag:$0x1] =	stream.linear.gather [hbm4b:s11+s23], $0x280, $0x38;
	[tilespmem:$0x7E00] =	vst v63  }
0x1c: {  	_ = 	snop  }
0x1d: {  	[tilespmem:s9], [sflag:$0x1] =	stream.linear.gather [hbm4b:s8+s23], $0x1400, $0x38;
	[tilespmem:$0x7E00] =	vst v63  }
0x1e: {  	_ = 	snop  }
0x1f: {  	[tilespmem:s10], [sflag:$0x1] =	stream.linear.gather [hbm4b:s7+s23], $0x4E20, $0x38;
	[tilespmem:$0x7E00] =	vst v63  }
0x20: {  	_ = 	snop  }
0x21: {  	[tilespmem:s14], [sflag:$0x1] =	stream.linear.gather [hbm4b:s2+s23], $0x80, $0x38;
	[tilespmem:$0x7E00] =	vst v63  }
0x22: {  	_ =	swait.ge [sflag:s15], $0x1400  }
0x23: {  	[sflag:s15] =	ssyncset.done $0x0  }
0x24: {  	[sflag:s15] =	ssyncadd.s32 $0xFFFFEC00  }
0x25: {  	_ =	swait.ge [sflag:s15], $0x280  }
0x26: {  	[sflag:s15] =	ssyncset.done $0x0  }
0x27: {  	[sflag:s15] =	ssyncadd.s32 $0xFFFFFD80  }
0x28: {  	_ =	swait.ge [sflag:s15], $0x1400  }
0x29: {  	[sflag:s15] =	ssyncset.done $0x0  }
0x2a: {  	[sflag:s15] =	ssyncadd.s32 $0xFFFFEC00  }
0x2b: {  	_ =	swait.ge [sflag:s15], $0x4E20  }
0x2c: {  	[sflag:s15] =	ssyncset.done $0x0  }
0x2d: {  	[sflag:s15] =	ssyncadd.s32 $0xFFFFB1E0  }
0x2e: {  	_ =	swait.ge [sflag:s15], $0x80  }
0x2f: {  	[sflag:s15] =	ssyncset.done $0x0  }
0x30: {  	[sflag:s15] =	ssyncadd.s32 $0xFFFFFF80  }
0x31: {  	v11 =	vld.idx.msk [tilespmem:v0+s14+$0x0], $0xffff  }
0x32: {  	v12 =	vld.idx.msk [tilespmem:v1+s14+$0x0], $0xffff;
	[tilespmem:$0x7AA0] =	vst v2  }
0x33: {  	s24 =	simm.s32 $0x1;
	s25 =	simm.s32 $0x1480;
	v13 =	vld [tilespmem:s20+$0x0]  }
.LBB2_3:
0x34: {  	p0 =	sne.s32 s24, $0x27;
	_ =	sdelay $0x3  }
0x35: {  	(xrf0) =	vmax.scan.msk.f32 $0xffff, v13;
	_ =	sdelay $0x3  }
0x36: {  	v13 =	vmov s23;
	s23 =	smov.u32 s24;
	_ =	sdelay $0x1  }
.Ltmp1:
0x37: {  	v14, _, _ =	vpop (xrf0);
	(pc) =	sbr.rel @p0 .LBB2_3-.Ltmp1, $3  }
0x38: {  	v14 =	vbroadcast v14, $0xF;
	_ =	sdelay $0x1  }
0x39: {  	s25 =	sadd.s32 $0x10, s25;
	[tilespmem:v13+s16+$0x0] =	vst.idx.msk $0x1, v14  }
0x3a: {  	s24 =	sadd.s32 $0x1, s24;
	v13 =	vld [tilespmem:s25+$0x0]  }
0x3b: {  	_ =	sdelay $0x3  }
0x3c: {  	(xrf0) =	vmax.scan.msk.f32 $0xffff, v13;
	_ =	sdelay $0x3  }
0x3d: {  	v13 =	vmov s23;
	_ =	sdelay $0x1  }
0x3e: {  	v14, _, _ =	vpop (xrf0)  }
0x3f: {  	v14 =	vbroadcast v14, $0xF;
	_ =	sdelay $0x1  }
0x40: {  	[tilespmem:v13+s16+$0x0] =	vst.idx.msk $0x1, v14  }
0x41: {  	v13 =	vld [tilespmem:$0x7A80];
	_ =	sdelay $0x1  }
0x42: {  	v14 =	vld [tilespmem:$0x7A90];
	_ =	sdelay $0x1  }
0x43: {  	v15 =	vld [tilespmem:$0x7AA0]  }
0x44: {  	vm7 =	vgt.f32 v13, $-3.000000010e+38  }
0x45: {  	v13 =	vnsel vm7, $0xFF61B1E6, v13  }
0x46: {  	vm8 =	vgt.f32 v14, v13  }
0x47: {  	v13 =	vsel vm8, v14, v13  }
0x48: {  	vm9 =	vgt.f32 v15, v13  }
0x49: {  	v13 =	vsel vm9, v15, v13  }
0x4a: {  	(xrf0) =	vmax.scan.msk.f32 $0xffff, v13;
	_ =	sdelay $0x5  }
0x4b: {  	v14, _, _ =	vpop (xrf0)  }
0x4c: {  	v16 =	vnsel vm7, $0x80000000, v6;
	v15 =	vbroadcast v14, $0xF  }
0x4d: {  	v16 =	vsel vm8, v7, v16  }
0x4e: {  	vm7 =	veq.f32 v13, v15;
	v13 =	vsel vm9, v8, v16  }
0x4f: {  	v13 =	vnsel vm7, $0x800186A0, v13  }
0x50: {  	(xrf0) =	vmin.scan.msk.u32 $0xffff, v13;
	_ =	sdelay $0x5  }
0x51: {  	(v2sf) =	vpush v14, $0xF;
	v13, _, _ =	vpop (xrf0)  }
0x52: {  	(v2sf) =	vpush v13, $0xF;
	_ =	sdelay $0xd  }
0x53: {  	[tilespmem:$0x7B58] =	vst v3;
	s24 =	spop (v2sf)  }
0x54: {  	[tilespmem:$0x7BD8] =	vst v4;
	s28 =	spop (v2sf)  }
0x55: {  	[tilespmem:$0x7D90] =	vst v3;
	s26 =	sshll.u32 s28, $0x4  }
0x56: {  	v16 =	vld [tilespmem:s26+$0x1480];
	_ =	sdelay $0x4  }
0x57: {  	vm7 =	veq.f32 v16, v15  }
0x58: {  	v13 =	vnsel vm7, $0x80000010, v6  }
0x59: {  	(xrf0) =	vmin.scan.msk.u32 $0xffff, v13;
	_ =	sdelay $0x5  }
0x5a: {  	v13, _, _ =	vpop (xrf0)  }
0x5b: {  	(v2sf) =	vpush v13, $0xF;
	_ =	sdelay $0xe  }
0x5c: {  	s25 =	spop (v2sf)  }
0x5d: {  	s29 =	sxor.u32 $0x80000000, s25  }
0x5e: {  	s26 =	sadd.s32 s29, s26  }
0x5f: {  	s25 =	sshll.u32 s26, $0x3  }
0x60: {  	v13 =	vld [tilespmem:s25+$0x0];
	_ =	sdelay $0x4  }
0x61: {  	vm7 =	veq.f32 v13, v15  }
0x62: {  	v14 =	vnsel vm7, $0x80000010, v9  }
0x63: {  	(xrf0) =	vmin.scan.msk.u32 $0xffff, v14;
	_ =	sdelay $0x5  }
0x64: {  	v14, _, _ =	vpop (xrf0)  }
0x65: {  	(v2sf) =	vpush v14, $0xF;
	_ =	sdelay $0xc  }
0x66: {  	v14 =	vld [tilespmem:s25+$0x1700];
	_ =	sdelay $0x1  }
0x67: {  	s31 =	spop (v2sf)  }
0x68: {  	s30 =	sxor.u32 $0x80000000, s31  }
0x69: {  	s23 =	sadd.s32 s31, s25;
	v15 =	vmov s30  }
0x6a: {  	v14 =	vxor.u32 $0x80000000, v14;
	s23 =	sshll.u32 s23, $0x2;
	vm7 =	veq.s32 v15, v5  }
0x6b: {  	v15 =	vor.u32 s23, v5;
	v14 =	vnsel vm7, $0x7FFFFFFF, v14  }
0x6c: {  	v15 =	vnsel vm1, $0x0, v15;
	(xrf0) =	vmax.scan.msk.u32 $0xffff, v14;
	_ =	sdelay $0x4  }
0x6d: {  	v14 =	vld.idx.msk [tilespmem:v15+s10+$0x0], $0xf  }
0x6e: {  	v15, _, _ =	vpop (xrf0)  }
0x6f: {  	(v2sf) =	vpush v15, $0xF  }
0x70: {  	v13 =	vsel vm7, $0xFF61B1E6, v13  }
0x71: {  	v15 =	vnsel vm6, $0xFF61B1E6, v13  }
0x72: {  	(xrf0) =	vmax.scan.msk.f32 $0xffff, v15;
	v15 =	vsel vm5, $0xFF61B1E6, v14  }
0x73: {  	v17 =	vsel vm4, $0xFF61B1E6, v14;
	(xrf0) =	vmax.scan.msk.f32 $0xffff, v15  }
0x74: {  	v15 =	vnsel vm2, $0xFF61B1E6, v14;
	(xrf0) =	vmax.scan.msk.f32 $0xffff, v17  }
0x75: {  	v14 =	vsel vm3, $0xFF61B1E6, v14;
	(xrf0) =	vmax.scan.msk.f32 $0xffff, v15  }
0x76: {  	(xrf0) =	vmax.scan.msk.f32 $0xffff, v14;
	_ =	sdelay $0x1  }
0x77: {  	v15, _, _ =	vpop (xrf0)  }
0x78: {  	v11 =	vsel vm0, v12, v11;
	v12 =	vmov s29;
	s23 =	simm.s32 $0x0;
	v17, _, _ =	vpop (xrf0)  }
0x79: {  	v14 =	vmov s23;
	v18, _, _ =	vpop (xrf0)  }
0x7a: {  	p0 =	sgt.f32 s24, $-1.000000020e+29;
	v15 =	vbroadcast v15, $0xF;
	v19, _, _ =	vpop (xrf0)  }
0x7b: {  	vm7 =	veq.s32 v12, v5;
	v17 =	vbroadcast v17, $0xF;
	v18 =	vbroadcast v18, $0xF;
	v12, _, _ =	vpop (xrf0)  }
0x7c: {  	s24 =	simm.s32 @!p0 $0xFF800000;
	v16 =	vsel vm7, v15, v16;
	v19 =	vbroadcast v19, $0xF;
	v12 =	vbroadcast v12, $0xF  }
0x7d: {  	v20 =	vmov s24;
	(xrf0) =	vmax.scan.msk.f32 $0xffff, v16;
	v17 =	vsel vm0, v18, v17;
	s30 =	spop (v2sf)  }
0x7e: {  	s24 =	simm.s32 $0x1;
	s29 =	sxor.u32 $0x80000000, s28;
	[tilespmem:v14+s17+$0x0] =	vst.idx.msk $0x1, v20;
	v16 =	vmul.f32 v10, v17;
	v17 =	vsel vm0, v19, v12;
	v12 =	vadd.s32 s23, v5;
	s30 =	sxor.u32 $0x80000000, s30  }
.LBB2_5:
0x7f: {  	p0 =	sne.s32 s24, $0x63  }
0x80: {  	v16 =	vadd.f32 v16, v17;
	s23 =	sadd.s32 $0x4, s23;
	s28 =	smov.u32 s24;
	s24 =	sadd.s32 $0x1, s24  }
0x81: {  	v17 =	vmov s26  }
0x82: {  	v18 =	vmov s30;
	v19 =	vmov s29;
	v16 =	vmul.f32 v16, v11  }
0x83: {  	[tilespmem:v14+s18+$0x0] =	vst.idx.msk $0x1, v18;
	v14, _, _ =	vpop (xrf0)  }
0x84: {  	[tilespmem:v12+s19+$0x0] =	vst.idx.msk $0xf, v16  }
0x85: {  	v12 =	vbroadcast v14, $0xF;
	[tilespmem:s25+$0x0] =	vst v13  }
0x86: {  	[tilespmem:v17+s20+$0x0] =	vst.idx.msk $0x1, v15  }
0x87: {  	[tilespmem:v19+s16+$0x0] =	vst.idx.msk $0x1, v12  }
0x88: {  	v12 =	vld [tilespmem:$0x7A80];
	_ =	sdelay $0x1  }
0x89: {  	v13 =	vld [tilespmem:$0x7A90];
	_ =	sdelay $0x1  }
0x8a: {  	v14 =	vld [tilespmem:$0x7AA0]  }
0x8b: {  	vm7 =	vgt.f32 v12, $-3.000000010e+38  }
0x8c: {  	v12 =	vnsel vm7, $0xFF61B1E6, v12  }
0x8d: {  	vm8 =	vgt.f32 v13, v12  }
0x8e: {  	v12 =	vsel vm8, v13, v12  }
0x8f: {  	vm9 =	vgt.f32 v14, v12  }
0x90: {  	v12 =	vsel vm9, v14, v12  }
0x91: {  	(xrf0) =	vmax.scan.msk.f32 $0xffff, v12;
	_ =	sdelay $0x5  }
0x92: {  	v13, _, _ =	vpop (xrf0)  }
0x93: {  	v15 =	vnsel vm7, $0x80000000, v6;
	v14 =	vbroadcast v13, $0xF;
	(v2sf) =	vpush v13, $0xF  }
0x94: {  	v13 =	vsel vm8, v7, v15  }
0x95: {  	vm7 =	veq.f32 v12, v14;
	v12 =	vsel vm9, v8, v13  }
0x96: {  	v12 =	vnsel vm7, $0x800186A0, v12  }
0x97: {  	(xrf0) =	vmin.scan.msk.u32 $0xffff, v12;
	_ =	sdelay $0x5  }
0x98: {  	v12, _, _ =	vpop (xrf0)  }
0x99: {  	(v2sf) =	vpush v12, $0xF;
	_ =	sdelay $0x3  }
0x9a: {  	s30 =	spop (v2sf)  }
0x9b: {  	p1 =	sgt.f32 s30, $-1.000000020e+29;
	_ =	sdelay $0x1  }
0x9c: {  	s30 =	simm.s32 @!p1 $0xFF800000;
	_ =	sdelay $0x7  }
0x9d: {  	s25 =	spop (v2sf)  }
0x9e: {  	s29 =	sxor.u32 $0x80000000, s25;
	s25 =	sshll.u32 s25, $0x4  }
0x9f: {  	v12 =	vld [tilespmem:s25+$0x1480];
	_ =	sdelay $0x4  }
0xa0: {  	vm7 =	veq.f32 v12, v14  }
0xa1: {  	v13 =	vnsel vm7, $0x80000010, v6  }
0xa2: {  	(xrf0) =	vmin.scan.msk.u32 $0xffff, v13;
	_ =	sdelay $0x5  }
0xa3: {  	v13, _, _ =	vpop (xrf0)  }
0xa4: {  	(v2sf) =	vpush v13, $0xF;
	_ =	sdelay $0xe  }
0xa5: {  	s26 =	spop (v2sf)  }
0xa6: {  	s31 =	sxor.u32 $0x80000000, s26  }
0xa7: {  	s26 =	sadd.s32 s31, s25;
	v16 =	vmov s31  }
0xa8: {  	s25 =	sshll.u32 s26, $0x3  }
0xa9: {  	v13 =	vld [tilespmem:s25+$0x0];
	_ =	sdelay $0x4  }
0xaa: {  	vm7 =	veq.f32 v13, v14  }
0xab: {  	v14 =	vnsel vm7, $0x80000010, v9  }
0xac: {  	(xrf0) =	vmin.scan.msk.u32 $0xffff, v14;
	_ =	sdelay $0x5  }
0xad: {  	v14, _, _ =	vpop (xrf0)  }
0xae: {  	(v2sf) =	vpush v14, $0xF;
	_ =	sdelay $0xc  }
0xaf: {  	v14 =	vld [tilespmem:s25+$0x1700];
	_ =	sdelay $0x1  }
0xb0: {  	s31 =	spop (v2sf)  }
0xb1: {  	s0 =	sxor.u32 $0x80000000, s31;
	s31 =	sadd.s32 s31, s25  }
0xb2: {  	v15 =	vmov s0;
	s0 =	sshll.u32 s31, $0x2  }
0xb3: {  	vm7 =	veq.s32 v15, v5;
	v14 =	vxor.u32 $0x80000000, v14;
	v15 =	vor.u32 s0, v5  }
0xb4: {  	v17 =	vnsel vm7, $0x7FFFFFFF, v14;
	v15 =	vnsel vm1, $0x0, v15;
	v13 =	vsel vm7, $0xFF61B1E6, v13  }
0xb5: {  	v14 =	vmov s28;
	v18 =	vnsel vm6, $0xFF61B1E6, v13;
	(xrf0) =	vmax.scan.msk.u32 $0xffff, v17  }
0xb6: {  	(xrf0) =	vmax.scan.msk.f32 $0xffff, v18;
	_ =	sdelay $0x2  }
0xb7: {  	v18 =	vmov s30;
	v15 =	vld.idx.msk [tilespmem:v15+s10+$0x0], $0xf  }
0xb8: {  	[tilespmem:v14+s17+$0x0] =	vst.idx.msk $0x1, v18  }
0xb9: {  	v17, _, _ =	vpop (xrf0)  }
0xba: {  	(v2sf) =	vpush v17, $0xF;
	v17, _, _ =	vpop (xrf0);
	_ =	sdelay $0x2  }
0xbb: {  	v18 =	vnsel vm2, $0xFF61B1E6, v15;
	v19 =	vsel vm3, $0xFF61B1E6, v15;
	v20 =	vsel vm5, $0xFF61B1E6, v15  }
0xbc: {  	v15 =	vsel vm4, $0xFF61B1E6, v15;
	(xrf0) =	vmax.scan.msk.f32 $0xffff, v20  }
0xbd: {  	(xrf0) =	vmax.scan.msk.f32 $0xffff, v15  }
0xbe: {  	(xrf0) =	vmax.scan.msk.f32 $0xffff, v18  }
0xbf: {  	(xrf0) =	vmax.scan.msk.f32 $0xffff, v19;
	_ =	sdelay $0x2  }
0xc0: {  	v18, _, _ =	vpop (xrf0)  }
0xc1: {  	v15 =	vbroadcast v17, $0xF;
	v17, _, _ =	vpop (xrf0)  }
.Ltmp2:
0xc2: {  	vm7 =	veq.s32 v16, v5;
	v18 =	vbroadcast v18, $0xF;
	v17 =	vbroadcast v17, $0xF;
	v16, _, _ =	vpop (xrf0);
	(pc) =	sbr.rel @p0 .LBB2_5-.Ltmp2, $4  }
0xc3: {  	v12 =	vsel vm7, v15, v12;
	v19 =	vbroadcast v16, $0xF;
	v16, _, _ =	vpop (xrf0)  }
0xc4: {  	v20 =	vbroadcast v16, $0xF;
	v16 =	vsel vm0, v17, v18;
	(xrf0) =	vmax.scan.msk.f32 $0xffff, v12  }
0xc5: {  	v16 =	vmul.f32 v10, v16;
	s0 =	spop (v2sf)  }
0xc6: {  	v12 =	vadd.s32 s23, v5;
	s30 =	sxor.u32 $0x80000000, s0;
	v17 =	vsel vm0, v19, v20  }
0xc7: {  	_ = 	snop  }
0xc8: {  	v16 =	vadd.f32 v16, v17  }
0xc9: {  	v61 =	vmov s26  }
0xca: {  	v62 =	vmov s30;
	v18 =	vmov s29;
	v11 =	vmul.f32 v16, v11  }
0xcb: {  	[tilespmem:v14+s18+$0x0] =	vst.idx.msk $0x1, v62  }
0xcc: {  	v63, _, _ =	vpop (xrf0);
	[tilespmem:v12+s19+$0x0] =	vst.idx.msk $0xf, v11  }
0xcd: {  	v11 =	vbroadcast v63, $0xF;
	[tilespmem:s25+$0x0] =	vst v13  }
0xce: {  	[tilespmem:v61+s20+$0x0] =	vst.idx.msk $0x1, v15  }
0xcf: {  	[tilespmem:v18+s16+$0x0] =	vst.idx.msk $0x1, v11  }
0xd0: {  	[hbm4b:s4+s3] =	stream.linear.scatter [tilespmem:s17], [sflag:$0x2], $0x68, $0x38;
	[tilespmem:$0x7E00] =	vst v63  }
0xd1: {  	_ =	swait.ge [sflag:s21], $0x68  }
0xd2: {  	[sflag:s21] =	ssyncset.done $0x0  }
0xd3: {  	[sflag:s21] =	ssyncadd.s32 $0xFFFFFF98  }
0xd4: {  	[hbm4b:s5+s3] =	stream.linear.scatter [tilespmem:s18], [sflag:$0x2], $0x68, $0x38;
	[tilespmem:$0x7E00] =	vst v63  }
0xd5: {  	s22 =	sadd.s32 $0x1, s22;
	_ =	swait.ge [sflag:s21], $0x68  }
0xd6: {  	p0 =	sne.s32 s22, s13;
	[sflag:s21] =	ssyncset.done $0x0  }
.Ltmp3:
0xd7: {  	[sflag:s21] =	ssyncadd.s32 $0xFFFFFF98;
	(pc) =	sbr.rel @p0 .LBB2_2-.Ltmp3, $4  }
0xd8: {  	[hbm4b:s6+s3] =	stream.linear.scatter [tilespmem:s19], [sflag:$0x2], $0x1A0, $0x38;
	[tilespmem:$0x7E00] =	vst v63  }
0xd9: {  	_ =	swait.ge [sflag:s21], $0x1A0  }
0xda: {  	[sflag:s21] =	ssyncset.done $0x0  }
0xdb: {  	[sflag:s21] =	ssyncadd.s32 $0xFFFFFE60  }
.LBB2_7:
0xdc: {  	_ =	sfence.sel $0x180000  }
0xdd: {  	[bflag:$0x0] =	sbarrier.arrive $0xFFFF  }
0xde: {  	_ =	strace $0x90000047  }
0xdf: {  	[bflag:$0x2] =	sbarrier.arrive $0xFFFF  }
0xe0: {  	p0 =	sne.s32 s1, $0x0;
	s0 =	rddreg [dreg:$0x2]  }
0xe1: {  	s0 =	sadd.s32 @!p0 $0x100000, s0  }
0xe2: {  	[sflag:s0] =	ssyncadd.tile.s32 @!p0 $0x1;
	_ =	shalt  }
.Lfunc_end2:
_tile_overlayer_lowered:
.L_overlay_start_2:
0xe3: {  	(tag) =	ssettag $0x2  }
0xe4: {  	s0 =	rddreg [dreg:$0x0];
	s2 =	stileid.u32  }
0xe5: {  	s1 =	rddreg [dreg:$0x1];
	p0 =	sne.s32 s2, $0x0  }
0xe6: {  	s3 =	rddreg [dreg:$0x2];
	[bflag:$0x3] =	sbarrier.arrive $0xFFFF;
	s2 =	simm.s32 @!p0 $0x1C02  }
0xe7: {  	[timem:s3], [sflag:s2] =	dma.local @!p0 [hbm:s0], s1  }
0xe8: {  	s0 =	simm.s32 @!p0 $0x2  }
0xe9: {  	_ =	swait.ge @!p0 [sflag:s0], s1  }
0xea: {  	s1 =	ssub.s32 @!p0 $0x0, s1;
	[sflag:s0] =	ssyncset.done @!p0 $0x0  }
0xeb: {  	[sflag:s0] =	ssyncadd.s32 @!p0 s1  }
0xec: {  	[bflag:$0x3] =	sbarrier.arrive $0xFFFF  }
0xed: {  	_ =	shalt  }

</sc_bundles>
